<compile_context>
chip_gen: v7x
topology: tpu7x:2x2x1
jax: 0.10.2.dev20260603
libtpu: 0.0.44.dev20260713+nightly
codegen_flags: <defaults>
</compile_context>

<pallas_src>
import functools

import jax
import jax.numpy as jnp
from jax import lax
from jax.experimental import pallas as pl
from jax.experimental.pallas import tpu as pltpu
from jax.experimental.pallas import tpu_sc as plsc

B = 16384
N = 1000000
MF_DIM = 16
MLP_HALF = 32
LANES = 128

MF_PACK = LANES // MF_DIM
MLP_PACK = LANES // MLP_HALF
PAD_N = -(-N // LANES) * LANES
PACK_J = 1664
assert PAD_N % PACK_J == 0
MF_GRID = -(-(N // MF_PACK) // PACK_J)
MLP_GRID = -(-(N // MLP_PACK) // PACK_J)
MF_NP = MF_GRID * PACK_J
MLP_NP = MLP_GRID * PACK_J
MF_LAST = PAD_N - MF_NP
MLP_LAST = PAD_N - MLP_NP
assert (MF_PACK - 1) * MF_NP >= MF_LAST
assert (MLP_PACK - 1) * MLP_NP >= MLP_LAST

_NC, _NS = 2, 16
_NW = _NC * _NS
_BPW = B // _NW
_CH = 256


def _make_pack(dim, pack, grid, last_start):
    starts = [q * grid for q in range(pack - 1)] + [last_start // PACK_J]

    def body(*refs):
        out_ref = refs[-1]
        stacked = jnp.concatenate([refs[q][...] for q in range(pack)], axis=0)
        out_ref[...] = stacked.T

    def apply(table):
        t_tr = table.T
        return pl.pallas_call(
            body,
            grid=(grid,),
            in_specs=[
                pl.BlockSpec((dim, PACK_J), lambda i, s=s: (0, i + s))
                for s in starts
            ],
            out_specs=pl.BlockSpec((PACK_J, LANES), lambda i: (i, 0)),
            out_shape=jax.ShapeDtypeStruct((grid * PACK_J, LANES),
                                           jnp.float32),
        )(*([t_tr] * pack))

    return apply


_pack_mf = _make_pack(MF_DIM, MF_PACK, MF_GRID, MF_LAST)
_pack_mlp = _make_pack(MLP_HALF, MLP_PACK, MLP_GRID, MLP_LAST)


def _sc_gather_body(ju_hbm, ji_hbm, tab_u, tab_i, out_u, out_i,
                    ju_v, ji_v, bufs, sem):
    wid = lax.axis_index("s") * _NC + lax.axis_index("c")
    base = wid * _BPW
    pltpu.sync_copy(ju_hbm.at[pl.ds(base, _BPW)], ju_v)
    pltpu.sync_copy(ji_hbm.at[pl.ds(base, _BPW)], ji_v)

    def chunk(c, _):
        off = c * _CH
        cp1 = pltpu.async_copy(tab_u.at[ju_v.at[pl.ds(off, _CH)]],
                               bufs.at[0], sem)
        cp2 = pltpu.async_copy(tab_i.at[ji_v.at[pl.ds(off, _CH)]],
                               bufs.at[1], sem)
        cp1.wait()
        cp2.wait()
        pltpu.sync_copy(bufs.at[0], out_u.at[pl.ds(base + off, _CH)])
        pltpu.sync_copy(bufs.at[1], out_i.at[pl.ds(base + off, _CH)])
        return _

    lax.fori_loop(0, _BPW // _CH, chunk, 0)


@functools.cache
def _sc_gather():
    return pl.kernel(
        _sc_gather_body,
        out_type=[
            jax.ShapeDtypeStruct((B, LANES), jnp.float32),
            jax.ShapeDtypeStruct((B, LANES), jnp.float32),
        ],
        mesh=plsc.VectorSubcoreMesh(core_axis_name="c", subcore_axis_name="s"),
        scratch_types=[
            pltpu.VMEM((_BPW,), jnp.int32),
            pltpu.VMEM((_BPW,), jnp.int32),
            pltpu.VMEM((2, _CH, LANES), jnp.float32),
            pltpu.SemaphoreType.DMA,
        ],
    )


def _mask(sel_ref, width, blk):
    lane_q = lax.broadcasted_iota(jnp.int32, (blk, LANES), 1) // width
    return lane_q == sel_ref[...]


def _tc_mlp_body(gmfu_ref, gmfi_ref, gmlpu_ref, gmlpi_ref,
                 su_ref, si_ref, tu_ref, ti_ref,
                 F16_ref, W1u128_ref, W1i128_ref, b1_ref, W2_ref, b2_ref,
                 Wfa_ref, Wfb_ref, bf_ref, out_ref):
    blk = gmfu_ref.shape[0]
    zu = jnp.where(_mask(su_ref, MF_DIM, blk), gmfu_ref[...], 0.0)
    zi = jnp.where(_mask(si_ref, MF_DIM, blk), gmfi_ref[...], 0.0)
    xmf = (zu @ F16_ref[...]) * (zi @ F16_ref[...])
    yu = jnp.where(_mask(tu_ref, MLP_HALF, blk), gmlpu_ref[...], 0.0)
    yi = jnp.where(_mask(ti_ref, MLP_HALF, blk), gmlpi_ref[...], 0.0)
    h1 = yu @ W1u128_ref[...] + yi @ W1i128_ref[...] + b1_ref[...]
    h1 = jnp.maximum(h1, 0.0)
    h2 = jnp.maximum(h1 @ W2_ref[...] + b2_ref[...], 0.0)
    out_ref[...] = xmf @ Wfa_ref[...] + h2 @ Wfb_ref[...] + bf_ref[0, 0]


def _tc_mlp(gmfu, gmfi, gmlpu, gmlpi, su, si, tu, ti, W1, b1, W2, b2, Wf, bf):
    blk = 2048
    grid = (B // blk,)
    F16 = (lax.broadcasted_iota(jnp.int32, (LANES, MF_DIM), 0) % MF_DIM
           == lax.broadcasted_iota(jnp.int32, (LANES, MF_DIM), 1)
           ).astype(jnp.float32)
    F32 = (lax.broadcasted_iota(jnp.int32, (LANES, MLP_HALF), 0) % MLP_HALF
           == lax.broadcasted_iota(jnp.int32, (LANES, MLP_HALF), 1)
           ).astype(jnp.float32)
    W1u128 = F32 @ W1[:MLP_HALF]
    W1i128 = F32 @ W1[MLP_HALF:]
    Wfa = Wf[:MF_DIM]
    Wfb = Wf[MF_DIM:]
    row = lambda i: (i, 0)
    rep = lambda i: (0, 0)
    return pl.pallas_call(
        _tc_mlp_body,
        grid=grid,
        in_specs=[
            pl.BlockSpec((blk, LANES), row),
            pl.BlockSpec((blk, LANES), row),
            pl.BlockSpec((blk, LANES), row),
            pl.BlockSpec((blk, LANES), row),
            pl.BlockSpec((blk, 1), row),
            pl.BlockSpec((blk, 1), row),
            pl.BlockSpec((blk, 1), row),
            pl.BlockSpec((blk, 1), row),
            pl.BlockSpec((LANES, MF_DIM), rep),
            pl.BlockSpec((LANES, 32), rep),
            pl.BlockSpec((LANES, 32), rep),
            pl.BlockSpec((1, 32), rep),
            pl.BlockSpec((32, 16), rep),
            pl.BlockSpec((1, 16), rep),
            pl.BlockSpec((MF_DIM, 1), rep),
            pl.BlockSpec((16, 1), rep),
            pl.BlockSpec((1, 1), rep),
        ],
        out_specs=pl.BlockSpec((blk, 1), row),
        out_shape=jax.ShapeDtypeStruct((B, 1), jnp.float32),
    )(gmfu, gmfi, gmlpu, gmlpi, su, si, tu, ti, F16, W1u128, W1i128,
      b1.reshape(1, -1), W2, b2.reshape(1, -1), Wfa, Wfb, bf.reshape(1, 1))


def kernel(user, item, mf_user_embed, mf_item_embed, mlp_user_embed,
           mlp_item_embed, W1, b1, W2, b2, Wf, bf):
    user = user.astype(jnp.int32)
    item = item.astype(jnp.int32)
    mfu_p = _pack_mf(mf_user_embed)
    mfi_p = _pack_mf(mf_item_embed)
    mlpu_p = _pack_mlp(mlp_user_embed)
    mlpi_p = _pack_mlp(mlp_item_embed)
    def phase_split(r, np_, pack, last_start):
        q = r // np_
        j = r - jnp.where(q == pack - 1, last_start, q * np_)
        return q, j

    su_f, ju = phase_split(user, MF_NP, MF_PACK, MF_LAST)
    si_f, ji = phase_split(item, MF_NP, MF_PACK, MF_LAST)
    tu_f, ju4 = phase_split(user, MLP_NP, MLP_PACK, MLP_LAST)
    ti_f, ji4 = phase_split(item, MLP_NP, MLP_PACK, MLP_LAST)
    gmfu, gmfi = _sc_gather()(ju, ji, mfu_p, mfi_p)
    gmlpu, gmlpi = _sc_gather()(ju4, ji4, mlpu_p, mlpi_p)
    su = su_f.reshape(B, 1)
    si = si_f.reshape(B, 1)
    tu = tu_f.reshape(B, 1)
    ti = ti_f.reshape(B, 1)
    return _tc_mlp(gmfu, gmfi, gmlpu, gmlpi, su, si, tu, ti,
                   W1, b1, W2, b2, Wf, bf)

# --- scband reference (transcript-rebuilt; emitter-appended) ---
"""Pipeline reference for scband-neu-mf-850403525240 (READ-ONLY COPY).

The authoritative reference and input builder live on the scoring server;
editing this copy changes nothing except your own understanding.
"""

import jax, jax.numpy as jnp
import numpy as np

B = 16384
NU = 1000000
NI = 1000000
MF_DIM = 16
MLP_SIZES = [64, 32, 16]


def _golorot_uniform(key, fan_in, fan_out):
    limit = np.sqrt(6.0 / (fan_in + fan_out))
    return jax.random.uniform(key, (fan_in, fan_out), minval=-limit, maxval=limit, dtype=jnp.float32)


def _lecunn_uniform(key, fan_in, fan_out):
    limit = np.sqrt(3.0 / fan_in)
    return jax.random.uniform(key, (fan_in, fan_out), minval=-limit, maxval=limit, dtype=jnp.float32)


def setup_inputs(seed: int = 0) -> dict:
    key = jax.random.key(seed)
    ks = jax.random.split(key, 12)
    user = jax.random.randint(ks[0], (B,), 0, NU, dtype=jnp.int64 if jax.config.jax_enable_x64 else jnp.int32)
    item = jax.random.randint(ks[1], (B,), 0, NI, dtype=jnp.int64 if jax.config.jax_enable_x64 else jnp.int32)
    mf_user_embed = jax.random.normal(ks[2], (NU, MF_DIM), dtype=jnp.float32) * 0.01
    mf_item_embed = jax.random.normal(ks[3], (NI, MF_DIM), dtype=jnp.float32) * 0.01
    half = MLP_SIZES[0] // 2
    mlp_user_embed = jax.random.normal(ks[4], (NU, half), dtype=jnp.float32) * 0.01
    mlp_item_embed = jax.random.normal(ks[5], (NI, half), dtype=jnp.float32) * 0.01
    W1 = _golorot_uniform(ks[6], MLP_SIZES[0], MLP_SIZES[1])
    b1 = jnp.zeros((MLP_SIZES[1],), dtype=jnp.float32)
    W2 = _golorot_uniform(ks[7], MLP_SIZES[1], MLP_SIZES[2])
    b2 = jnp.zeros((MLP_SIZES[2],), dtype=jnp.float32)
    Wf = _lecunn_uniform(ks[8], MLP_SIZES[-1] + MF_DIM, 1)
    bf = jnp.zeros((1,), dtype=jnp.float32)
    return {
        'user': user, 'item': item,
        'mf_user_embed': mf_user_embed, 'mf_item_embed': mf_item_embed,
        'mlp_user_embed': mlp_user_embed, 'mlp_item_embed': mlp_item_embed,
        'W1': W1, 'b1': b1, 'W2': W2, 'b2': b2, 'Wf': Wf, 'bf': bf,
    }


def reference(user, item, mf_user_embed, mf_item_embed, mlp_user_embed, mlp_item_embed, W1, b1, W2, b2, Wf, bf):
    # GMF branch: gather + elementwise product
    xmfu = jnp.take(mf_user_embed, user, axis=0)
    xmfi = jnp.take(mf_item_embed, item, axis=0)
    xmf = xmfu * xmfi
    # MLP branch: gather + concat + MLP with relu
    xmlpu = jnp.take(mlp_user_embed, user, axis=0)
    xmlpi = jnp.take(mlp_item_embed, item, axis=0)
    xmlp = jnp.concatenate((xmlpu, xmlpi), axis=1)
    xmlp = jax.nn.relu(xmlp @ W1 + b1)
    xmlp = jax.nn.relu(xmlp @ W2 + b2)
    x = jnp.concatenate((xmf, xmlp), axis=1)
    x = x @ Wf + bf
    return x

if __name__ == "__main__":
    import jax
    _d = setup_inputs()
    print(jax.jit(kernel)(*tuple(_d.values())))

</pallas_src>

<mosaic_0001>
#map = affine_map<(d0, d1) -> (0)>
#map1 = affine_map<(d0, d1) -> (0, 0)>
module attributes {stable_mosaic.version = 14 : i64} {
  func.func @_sc_gather_body(%arg0: i32, %arg1: i32, %arg2: memref<16384xi32, #tpu.memory_space<hbm>>, %arg3: memref<16384xi32, #tpu.memory_space<hbm>>, %arg4: memref<251264x128xf32, #tpu.memory_space<hbm>>, %arg5: memref<251264x128xf32, #tpu.memory_space<hbm>>, %arg6: memref<16384x128xf32, #tpu.memory_space<hbm>>, %arg7: memref<16384x128xf32, #tpu.memory_space<hbm>>, %arg8: memref<512xi32, #tpu.memory_space<vmem>>, %arg9: memref<512xi32, #tpu.memory_space<vmem>>, %arg10: memref<2x256x128xf32, #tpu.memory_space<vmem>>, %arg11: memref<!tpu.dma_semaphore, #tpu.memory_space<semaphore_mem>>) attributes {dimension_semantics = [#tpu.dimension_semantics<core_parallel>, #tpu.dimension_semantics<subcore_parallel>], iteration_bounds = array<i64: 2, 16>, scalar_prefetch = 0 : i64, scratch_operands = 4 : i64, tpu.core_type = #tpu.core_type<sc_vector_subcore>, window_params = [{transform_indices = #map}, {transform_indices = #map}, {transform_indices = #map1}, {transform_indices = #map1}, {transform_indices = #map1}, {transform_indices = #map1}]} {
    %mul3A = arith.constant 2 : i32
    %mul3A_0 = arith.muli %arg1, %mul3A : i32
    %add3A = arith.addi %mul3A_0, %arg0 : i32
    %mul3A_1 = arith.constant 512 : i32
    %mul3A_2 = arith.muli %add3A, %mul3A_1 : i32
    "tpu.region"() ({
      %run_scoped3A = tpu.sem_alloc : memref<!tpu.dma_semaphore, #tpu.memory_space<semaphore_mem>>
      %dma_start3A = tpu.memref_slice %arg2[%mul3A_2] : memref<16384xi32, #tpu.memory_space<hbm>> -> memref<512xi32, #tpu.memory_space<hbm>>
      %dma_start3A_8 = tpu.memref_slice %arg2[%mul3A_2] : memref<16384xi32, #tpu.memory_space<hbm>> -> memref<512xi32, #tpu.memory_space<hbm>>
      tpu.enqueue_dma source(%dma_start3A_8 : memref<512xi32, #tpu.memory_space<hbm>>) target(%arg8 : memref<512xi32, #tpu.memory_space<vmem>>) target_semaphore(%run_scoped3A : memref<!tpu.dma_semaphore, #tpu.memory_space<semaphore_mem>>)
      %dma_wait3A = tpu.memref_slice %arg2[%mul3A_2] : memref<16384xi32, #tpu.memory_space<hbm>> -> memref<512xi32, #tpu.memory_space<hbm>>
      %dma_wait3A_9 = tpu.memref_slice %arg2[%mul3A_2] : memref<16384xi32, #tpu.memory_space<hbm>> -> memref<512xi32, #tpu.memory_space<hbm>>
      tpu.wait_dma2 semaphore(%run_scoped3A : memref<!tpu.dma_semaphore, #tpu.memory_space<semaphore_mem>>) src(%dma_wait3A_9 : memref<512xi32, #tpu.memory_space<hbm>>) dst(%arg8 : memref<512xi32, #tpu.memory_space<vmem>>)
      tpu.yield
    }) : () -> ()
    "tpu.region"() ({
      %run_scoped3A = tpu.sem_alloc : memref<!tpu.dma_semaphore, #tpu.memory_space<semaphore_mem>>
      %dma_start3A = tpu.memref_slice %arg3[%mul3A_2] : memref<16384xi32, #tpu.memory_space<hbm>> -> memref<512xi32, #tpu.memory_space<hbm>>
      %dma_start3A_8 = tpu.memref_slice %arg3[%mul3A_2] : memref<16384xi32, #tpu.memory_space<hbm>> -> memref<512xi32, #tpu.memory_space<hbm>>
      tpu.enqueue_dma source(%dma_start3A_8 : memref<512xi32, #tpu.memory_space<hbm>>) target(%arg9 : memref<512xi32, #tpu.memory_space<vmem>>) target_semaphore(%run_scoped3A : memref<!tpu.dma_semaphore, #tpu.memory_space<semaphore_mem>>)
      %dma_wait3A = tpu.memref_slice %arg3[%mul3A_2] : memref<16384xi32, #tpu.memory_space<hbm>> -> memref<512xi32, #tpu.memory_space<hbm>>
      %dma_wait3A_9 = tpu.memref_slice %arg3[%mul3A_2] : memref<16384xi32, #tpu.memory_space<hbm>> -> memref<512xi32, #tpu.memory_space<hbm>>
      tpu.wait_dma2 semaphore(%run_scoped3A : memref<!tpu.dma_semaphore, #tpu.memory_space<semaphore_mem>>) src(%dma_wait3A_9 : memref<512xi32, #tpu.memory_space<hbm>>) dst(%arg9 : memref<512xi32, #tpu.memory_space<vmem>>)
      tpu.yield
    }) : () -> ()
    %scan3A = arith.constant 0 : i32
    %scan3A_3 = arith.constant 0 : i32
    %scan3A_4 = arith.constant 2 : i32
    %scan3A_5 = arith.addi %scan3A_3, %scan3A_4 : i32
    %scan3A_6 = arith.constant 1 : i32
    scf.for %scan3A_8 = %scan3A_3 to %scan3A_5 step %scan3A_6  : i32 {
      %mul3A_9 = arith.constant 256 : i32
      %mul3A_10 = arith.muli %scan3A_8, %mul3A_9 : i32
      %dma_start3A = arith.constant 0 : i32
      %dma_start3A_11 = arith.constant 0 : i32
      %dma_start3A_12 = arith.constant 0 : i32
      %dma_start3A_13 = tpu.memref_slice %arg10[%dma_start3A, %dma_start3A_11, %dma_start3A_12] : memref<2x256x128xf32, #tpu.memory_space<vmem>> -> memref<1x256x128xf32, #tpu.memory_space<vmem>>
      %dma_start3A_14 = tpu.memref_squeeze %dma_start3A_13 : memref<1x256x128xf32, #tpu.memory_space<vmem>> -> memref<256x128xf32, #tpu.memory_space<vmem>>
      %dma_start3A_15 = tpu.memref_slice %arg8[%mul3A_10] : memref<512xi32, #tpu.memory_space<vmem>> -> memref<256xi32, #tpu.memory_space<vmem>>
      %dma_start3A_16 = arith.constant 0 : i32
      %dma_start3A_17 = arith.constant 0 : i32
      %dma_start3A_18 = tpu.memref_slice %arg4[%dma_start3A_16, %dma_start3A_17] : memref<251264x128xf32, #tpu.memory_space<hbm>> -> memref<251264x128xf32, #tpu.memory_space<hbm>>
      tpu.enqueue_indirect_dma source(%dma_start3A_18 : memref<251264x128xf32, #tpu.memory_space<hbm>>) target(%dma_start3A_14 : memref<256x128xf32, #tpu.memory_space<vmem>>) offsets(%dma_start3A_15 : memref<256xi32, #tpu.memory_space<vmem>>) semaphore(%arg11 : memref<!tpu.dma_semaphore, #tpu.memory_space<semaphore_mem>>)
      %dma_start3A_19 = arith.constant 1 : i32
      %dma_start3A_20 = arith.constant 0 : i32
      %dma_start3A_21 = arith.constant 0 : i32
      %dma_start3A_22 = tpu.memref_slice %arg10[%dma_start3A_19, %dma_start3A_20, %dma_start3A_21] : memref<2x256x128xf32, #tpu.memory_space<vmem>> -> memref<1x256x128xf32, #tpu.memory_space<vmem>>
      %dma_start3A_23 = tpu.memref_squeeze %dma_start3A_22 : memref<1x256x128xf32, #tpu.memory_space<vmem>> -> memref<256x128xf32, #tpu.memory_space<vmem>>
      %dma_start3A_24 = tpu.memref_slice %arg9[%mul3A_10] : memref<512xi32, #tpu.memory_space<vmem>> -> memref<256xi32, #tpu.memory_space<vmem>>
      %dma_start3A_25 = arith.constant 0 : i32
      %dma_start3A_26 = arith.constant 0 : i32
      %dma_start3A_27 = tpu.memref_slice %arg5[%dma_start3A_25, %dma_start3A_26] : memref<251264x128xf32, #tpu.memory_space<hbm>> -> memref<251264x128xf32, #tpu.memory_space<hbm>>
      tpu.enqueue_indirect_dma source(%dma_start3A_27 : memref<251264x128xf32, #tpu.memory_space<hbm>>) target(%dma_start3A_23 : memref<256x128xf32, #tpu.memory_space<vmem>>) offsets(%dma_start3A_24 : memref<256xi32, #tpu.memory_space<vmem>>) semaphore(%arg11 : memref<!tpu.dma_semaphore, #tpu.memory_space<semaphore_mem>>)
      %dma_wait3A = arith.constant 0 : i32
      %dma_wait3A_28 = arith.constant 0 : i32
      %dma_wait3A_29 = arith.constant 0 : i32
      %dma_wait3A_30 = tpu.memref_slice %arg10[%dma_wait3A, %dma_wait3A_28, %dma_wait3A_29] : memref<2x256x128xf32, #tpu.memory_space<vmem>> -> memref<1x256x128xf32, #tpu.memory_space<vmem>>
      %dma_wait3A_31 = tpu.memref_squeeze %dma_wait3A_30 : memref<1x256x128xf32, #tpu.memory_space<vmem>> -> memref<256x128xf32, #tpu.memory_space<vmem>>
      %dma_wait3A_32 = tpu.memref_slice %arg8[%mul3A_10] : memref<512xi32, #tpu.memory_space<vmem>> -> memref<256xi32, #tpu.memory_space<vmem>>
      %dma_wait3A_33 = arith.constant 0 : i32
      %dma_wait3A_34 = arith.constant 0 : i32
      %dma_wait3A_35 = tpu.memref_slice %arg4[%dma_wait3A_33, %dma_wait3A_34] : memref<251264x128xf32, #tpu.memory_space<hbm>> -> memref<251264x128xf32, #tpu.memory_space<hbm>>
      tpu.wait_indirect_dma semaphore(%arg11 : memref<!tpu.dma_semaphore, #tpu.memory_space<semaphore_mem>>) src(%dma_wait3A_35 : memref<251264x128xf32, #tpu.memory_space<hbm>>) dst(%dma_wait3A_31 : memref<256x128xf32, #tpu.memory_space<vmem>>)
      %dma_wait3A_36 = arith.constant 1 : i32
      %dma_wait3A_37 = arith.constant 0 : i32
      %dma_wait3A_38 = arith.constant 0 : i32
      %dma_wait3A_39 = tpu.memref_slice %arg10[%dma_wait3A_36, %dma_wait3A_37, %dma_wait3A_38] : memref<2x256x128xf32, #tpu.memory_space<vmem>> -> memref<1x256x128xf32, #tpu.memory_space<vmem>>
      %dma_wait3A_40 = tpu.memref_squeeze %dma_wait3A_39 : memref<1x256x128xf32, #tpu.memory_space<vmem>> -> memref<256x128xf32, #tpu.memory_space<vmem>>
      %dma_wait3A_41 = tpu.memref_slice %arg9[%mul3A_10] : memref<512xi32, #tpu.memory_space<vmem>> -> memref<256xi32, #tpu.memory_space<vmem>>
      %dma_wait3A_42 = arith.constant 0 : i32
      %dma_wait3A_43 = arith.constant 0 : i32
      %dma_wait3A_44 = tpu.memref_slice %arg5[%dma_wait3A_42, %dma_wait3A_43] : memref<251264x128xf32, #tpu.memory_space<hbm>> -> memref<251264x128xf32, #tpu.memory_space<hbm>>
      tpu.wait_indirect_dma semaphore(%arg11 : memref<!tpu.dma_semaphore, #tpu.memory_space<semaphore_mem>>) src(%dma_wait3A_44 : memref<251264x128xf32, #tpu.memory_space<hbm>>) dst(%dma_wait3A_40 : memref<256x128xf32, #tpu.memory_space<vmem>>)
      %add3A_45 = arith.addi %mul3A_2, %mul3A_10 : i32
      %run_scoped3A = arith.constant 0 : i32
      "tpu.region"() ({
        %run_scoped3A_48 = tpu.sem_alloc : memref<!tpu.dma_semaphore, #tpu.memory_space<semaphore_mem>>
        %dma_start3A_49 = arith.constant 0 : i32
        %dma_start3A_50 = arith.constant 0 : i32
        %dma_start3A_51 = tpu.memref_slice %arg10[%run_scoped3A, %dma_start3A_49, %dma_start3A_50] : memref<2x256x128xf32, #tpu.memory_space<vmem>> -> memref<1x256x128xf32, #tpu.memory_space<vmem>>
        %dma_start3A_52 = tpu.memref_squeeze %dma_start3A_51 : memref<1x256x128xf32, #tpu.memory_space<vmem>> -> memref<256x128xf32, #tpu.memory_space<vmem>>
        %dma_start3A_53 = arith.constant 0 : i32
        %dma_start3A_54 = tpu.memref_slice %arg6[%add3A_45, %dma_start3A_53] : memref<16384x128xf32, #tpu.memory_space<hbm>> -> memref<256x128xf32, #tpu.memory_space<hbm>>
        %dma_start3A_55 = arith.constant 0 : i32
        %dma_start3A_56 = tpu.memref_slice %arg6[%add3A_45, %dma_start3A_55] : memref<16384x128xf32, #tpu.memory_space<hbm>> -> memref<256x128xf32, #tpu.memory_space<hbm>>
        %dma_start3A_57 = arith.constant 0 : i32
        %dma_start3A_58 = arith.constant 0 : i32
        %dma_start3A_59 = tpu.memref_slice %arg10[%run_scoped3A, %dma_start3A_57, %dma_start3A_58] : memref<2x256x128xf32, #tpu.memory_space<vmem>> -> memref<1x256x128xf32, #tpu.memory_space<vmem>>
        %dma_start3A_60 = tpu.memref_squeeze %dma_start3A_59 : memref<1x256x128xf32, #tpu.memory_space<vmem>> -> memref<256x128xf32, #tpu.memory_space<vmem>>
        tpu.enqueue_dma source(%dma_start3A_60 : memref<256x128xf32, #tpu.memory_space<vmem>>) target(%dma_start3A_56 : memref<256x128xf32, #tpu.memory_space<hbm>>) target_semaphore(%run_scoped3A_48 : memref<!tpu.dma_semaphore, #tpu.memory_space<semaphore_mem>>)
        %dma_wait3A_61 = arith.constant 0 : i32
        %dma_wait3A_62 = arith.constant 0 : i32
        %dma_wait3A_63 = tpu.memref_slice %arg10[%run_scoped3A, %dma_wait3A_61, %dma_wait3A_62] : memref<2x256x128xf32, #tpu.memory_space<vmem>> -> memref<1x256x128xf32, #tpu.memory_space<vmem>>
        %dma_wait3A_64 = tpu.memref_squeeze %dma_wait3A_63 : memref<1x256x128xf32, #tpu.memory_space<vmem>> -> memref<256x128xf32, #tpu.memory_space<vmem>>
        %dma_wait3A_65 = arith.constant 0 : i32
        %dma_wait3A_66 = tpu.memref_slice %arg6[%add3A_45, %dma_wait3A_65] : memref<16384x128xf32, #tpu.memory_space<hbm>> -> memref<256x128xf32, #tpu.memory_space<hbm>>
        %dma_wait3A_67 = arith.constant 0 : i32
        %dma_wait3A_68 = tpu.memref_slice %arg6[%add3A_45, %dma_wait3A_67] : memref<16384x128xf32, #tpu.memory_space<hbm>> -> memref<256x128xf32, #tpu.memory_space<hbm>>
        %dma_wait3A_69 = arith.constant 0 : i32
        %dma_wait3A_70 = arith.constant 0 : i32
        %dma_wait3A_71 = tpu.memref_slice %arg10[%run_scoped3A, %dma_wait3A_69, %dma_wait3A_70] : memref<2x256x128xf32, #tpu.memory_space<vmem>> -> memref<1x256x128xf32, #tpu.memory_space<vmem>>
        %dma_wait3A_72 = tpu.memref_squeeze %dma_wait3A_71 : memref<1x256x128xf32, #tpu.memory_space<vmem>> -> memref<256x128xf32, #tpu.memory_space<vmem>>
        tpu.wait_dma2 semaphore(%run_scoped3A_48 : memref<!tpu.dma_semaphore, #tpu.memory_space<semaphore_mem>>) src(%dma_wait3A_72 : memref<256x128xf32, #tpu.memory_space<vmem>>) dst(%dma_wait3A_68 : memref<256x128xf32, #tpu.memory_space<hbm>>)
        tpu.yield
      }) : () -> ()
      %add3A_46 = arith.addi %mul3A_2, %mul3A_10 : i32
      %run_scoped3A_47 = arith.constant 1 : i32
      "tpu.region"() ({
        %run_scoped3A_48 = tpu.sem_alloc : memref<!tpu.dma_semaphore, #tpu.memory_space<semaphore_mem>>
        %dma_start3A_49 = arith.constant 0 : i32
        %dma_start3A_50 = arith.constant 0 : i32
        %dma_start3A_51 = tpu.memref_slice %arg10[%run_scoped3A_47, %dma_start3A_49, %dma_start3A_50] : memref<2x256x128xf32, #tpu.memory_space<vmem>> -> memref<1x256x128xf32, #tpu.memory_space<vmem>>
        %dma_start3A_52 = tpu.memref_squeeze %dma_start3A_51 : memref<1x256x128xf32, #tpu.memory_space<vmem>> -> memref<256x128xf32, #tpu.memory_space<vmem>>
        %dma_start3A_53 = arith.constant 0 : i32
        %dma_start3A_54 = tpu.memref_slice %arg7[%add3A_46, %dma_start3A_53] : memref<16384x128xf32, #tpu.memory_space<hbm>> -> memref<256x128xf32, #tpu.memory_space<hbm>>
        %dma_start3A_55 = arith.constant 0 : i32
        %dma_start3A_56 = tpu.memref_slice %arg7[%add3A_46, %dma_start3A_55] : memref<16384x128xf32, #tpu.memory_space<hbm>> -> memref<256x128xf32, #tpu.memory_space<hbm>>
        %dma_start3A_57 = arith.constant 0 : i32
        %dma_start3A_58 = arith.constant 0 : i32
        %dma_start3A_59 = tpu.memref_slice %arg10[%run_scoped3A_47, %dma_start3A_57, %dma_start3A_58] : memref<2x256x128xf32, #tpu.memory_space<vmem>> -> memref<1x256x128xf32, #tpu.memory_space<vmem>>
        %dma_start3A_60 = tpu.memref_squeeze %dma_start3A_59 : memref<1x256x128xf32, #tpu.memory_space<vmem>> -> memref<256x128xf32, #tpu.memory_space<vmem>>
        tpu.enqueue_dma source(%dma_start3A_60 : memref<256x128xf32, #tpu.memory_space<vmem>>) target(%dma_start3A_56 : memref<256x128xf32, #tpu.memory_space<hbm>>) target_semaphore(%run_scoped3A_48 : memref<!tpu.dma_semaphore, #tpu.memory_space<semaphore_mem>>)
        %dma_wait3A_61 = arith.constant 0 : i32
        %dma_wait3A_62 = arith.constant 0 : i32
        %dma_wait3A_63 = tpu.memref_slice %arg10[%run_scoped3A_47, %dma_wait3A_61, %dma_wait3A_62] : memref<2x256x128xf32, #tpu.memory_space<vmem>> -> memref<1x256x128xf32, #tpu.memory_space<vmem>>
        %dma_wait3A_64 = tpu.memref_squeeze %dma_wait3A_63 : memref<1x256x128xf32, #tpu.memory_space<vmem>> -> memref<256x128xf32, #tpu.memory_space<vmem>>
        %dma_wait3A_65 = arith.constant 0 : i32
        %dma_wait3A_66 = tpu.memref_slice %arg7[%add3A_46, %dma_wait3A_65] : memref<16384x128xf32, #tpu.memory_space<hbm>> -> memref<256x128xf32, #tpu.memory_space<hbm>>
        %dma_wait3A_67 = arith.constant 0 : i32
        %dma_wait3A_68 = tpu.memref_slice %arg7[%add3A_46, %dma_wait3A_67] : memref<16384x128xf32, #tpu.memory_space<hbm>> -> memref<256x128xf32, #tpu.memory_space<hbm>>
        %dma_wait3A_69 = arith.constant 0 : i32
        %dma_wait3A_70 = arith.constant 0 : i32
        %dma_wait3A_71 = tpu.memref_slice %arg10[%run_scoped3A_47, %dma_wait3A_69, %dma_wait3A_70] : memref<2x256x128xf32, #tpu.memory_space<vmem>> -> memref<1x256x128xf32, #tpu.memory_space<vmem>>
        %dma_wait3A_72 = tpu.memref_squeeze %dma_wait3A_71 : memref<1x256x128xf32, #tpu.memory_space<vmem>> -> memref<256x128xf32, #tpu.memory_space<vmem>>
        tpu.wait_dma2 semaphore(%run_scoped3A_48 : memref<!tpu.dma_semaphore, #tpu.memory_space<semaphore_mem>>) src(%dma_wait3A_72 : memref<256x128xf32, #tpu.memory_space<vmem>>) dst(%dma_wait3A_68 : memref<256x128xf32, #tpu.memory_space<hbm>>)
        tpu.yield
      }) : () -> ()
    }
    %scan3A_7 = arith.constant 2 : i32
    return
  }
}

#map = affine_map<(d0, d1) -> (0)>
#map1 = affine_map<(d0, d1) -> (0, 0)>
module attributes {stable_mosaic.version = 14 : i64} {
  func.func @_sc_gather_body(%arg0: i32, %arg1: i32, %arg2: memref<16384xi32, #tpu.memory_space<hbm>>, %arg3: memref<16384xi32, #tpu.memory_space<hbm>>, %arg4: memref<126464x128xf32, #tpu.memory_space<hbm>>, %arg5: memref<126464x128xf32, #tpu.memory_space<hbm>>, %arg6: memref<16384x128xf32, #tpu.memory_space<hbm>>, %arg7: memref<16384x128xf32, #tpu.memory_space<hbm>>, %arg8: memref<512xi32, #tpu.memory_space<vmem>>, %arg9: memref<512xi32, #tpu.memory_space<vmem>>, %arg10: memref<2x256x128xf32, #tpu.memory_space<vmem>>, %arg11: memref<!tpu.dma_semaphore, #tpu.memory_space<semaphore_mem>>) attributes {dimension_semantics = [#tpu.dimension_semantics<core_parallel>, #tpu.dimension_semantics<subcore_parallel>], iteration_bounds = array<i64: 2, 16>, scalar_prefetch = 0 : i64, scratch_operands = 4 : i64, tpu.core_type = #tpu.core_type<sc_vector_subcore>, window_params = [{transform_indices = #map}, {transform_indices = #map}, {transform_indices = #map1}, {transform_indices = #map1}, {transform_indices = #map1}, {transform_indices = #map1}]} {
    %mul3A = arith.constant 2 : i32
    %mul3A_0 = arith.muli %arg1, %mul3A : i32
    %add3A = arith.addi %mul3A_0, %arg0 : i32
    %mul3A_1 = arith.constant 512 : i32
    %mul3A_2 = arith.muli %add3A, %mul3A_1 : i32
    "tpu.region"() ({
      %run_scoped3A = tpu.sem_alloc : memref<!tpu.dma_semaphore, #tpu.memory_space<semaphore_mem>>
      %dma_start3A = tpu.memref_slice %arg2[%mul3A_2] : memref<16384xi32, #tpu.memory_space<hbm>> -> memref<512xi32, #tpu.memory_space<hbm>>
      %dma_start3A_8 = tpu.memref_slice %arg2[%mul3A_2] : memref<16384xi32, #tpu.memory_space<hbm>> -> memref<512xi32, #tpu.memory_space<hbm>>
      tpu.enqueue_dma source(%dma_start3A_8 : memref<512xi32, #tpu.memory_space<hbm>>) target(%arg8 : memref<512xi32, #tpu.memory_space<vmem>>) target_semaphore(%run_scoped3A : memref<!tpu.dma_semaphore, #tpu.memory_space<semaphore_mem>>)
      %dma_wait3A = tpu.memref_slice %arg2[%mul3A_2] : memref<16384xi32, #tpu.memory_space<hbm>> -> memref<512xi32, #tpu.memory_space<hbm>>
      %dma_wait3A_9 = tpu.memref_slice %arg2[%mul3A_2] : memref<16384xi32, #tpu.memory_space<hbm>> -> memref<512xi32, #tpu.memory_space<hbm>>
      tpu.wait_dma2 semaphore(%run_scoped3A : memref<!tpu.dma_semaphore, #tpu.memory_space<semaphore_mem>>) src(%dma_wait3A_9 : memref<512xi32, #tpu.memory_space<hbm>>) dst(%arg8 : memref<512xi32, #tpu.memory_space<vmem>>)
      tpu.yield
    }) : () -> ()
    "tpu.region"() ({
      %run_scoped3A = tpu.sem_alloc : memref<!tpu.dma_semaphore, #tpu.memory_space<semaphore_mem>>
      %dma_start3A = tpu.memref_slice %arg3[%mul3A_2] : memref<16384xi32, #tpu.memory_space<hbm>> -> memref<512xi32, #tpu.memory_space<hbm>>
      %dma_start3A_8 = tpu.memref_slice %arg3[%mul3A_2] : memref<16384xi32, #tpu.memory_space<hbm>> -> memref<512xi32, #tpu.memory_space<hbm>>
      tpu.enqueue_dma source(%dma_start3A_8 : memref<512xi32, #tpu.memory_space<hbm>>) target(%arg9 : memref<512xi32, #tpu.memory_space<vmem>>) target_semaphore(%run_scoped3A : memref<!tpu.dma_semaphore, #tpu.memory_space<semaphore_mem>>)
      %dma_wait3A = tpu.memref_slice %arg3[%mul3A_2] : memref<16384xi32, #tpu.memory_space<hbm>> -> memref<512xi32, #tpu.memory_space<hbm>>
      %dma_wait3A_9 = tpu.memref_slice %arg3[%mul3A_2] : memref<16384xi32, #tpu.memory_space<hbm>> -> memref<512xi32, #tpu.memory_space<hbm>>
      tpu.wait_dma2 semaphore(%run_scoped3A : memref<!tpu.dma_semaphore, #tpu.memory_space<semaphore_mem>>) src(%dma_wait3A_9 : memref<512xi32, #tpu.memory_space<hbm>>) dst(%arg9 : memref<512xi32, #tpu.memory_space<vmem>>)
      tpu.yield
    }) : () -> ()
    %scan3A = arith.constant 0 : i32
    %scan3A_3 = arith.constant 0 : i32
    %scan3A_4 = arith.constant 2 : i32
    %scan3A_5 = arith.addi %scan3A_3, %scan3A_4 : i32
    %scan3A_6 = arith.constant 1 : i32
    scf.for %scan3A_8 = %scan3A_3 to %scan3A_5 step %scan3A_6  : i32 {
      %mul3A_9 = arith.constant 256 : i32
      %mul3A_10 = arith.muli %scan3A_8, %mul3A_9 : i32
      %dma_start3A = arith.constant 0 : i32
      %dma_start3A_11 = arith.constant 0 : i32
      %dma_start3A_12 = arith.constant 0 : i32
      %dma_start3A_13 = tpu.memref_slice %arg10[%dma_start3A, %dma_start3A_11, %dma_start3A_12] : memref<2x256x128xf32, #tpu.memory_space<vmem>> -> memref<1x256x128xf32, #tpu.memory_space<vmem>>
      %dma_start3A_14 = tpu.memref_squeeze %dma_start3A_13 : memref<1x256x128xf32, #tpu.memory_space<vmem>> -> memref<256x128xf32, #tpu.memory_space<vmem>>
      %dma_start3A_15 = tpu.memref_slice %arg8[%mul3A_10] : memref<512xi32, #tpu.memory_space<vmem>> -> memref<256xi32, #tpu.memory_space<vmem>>
      %dma_start3A_16 = arith.constant 0 : i32
      %dma_start3A_17 = arith.constant 0 : i32
      %dma_start3A_18 = tpu.memref_slice %arg4[%dma_start3A_16, %dma_start3A_17] : memref<126464x128xf32, #tpu.memory_space<hbm>> -> memref<126464x128xf32, #tpu.memory_space<hbm>>
      tpu.enqueue_indirect_dma source(%dma_start3A_18 : memref<126464x128xf32, #tpu.memory_space<hbm>>) target(%dma_start3A_14 : memref<256x128xf32, #tpu.memory_space<vmem>>) offsets(%dma_start3A_15 : memref<256xi32, #tpu.memory_space<vmem>>) semaphore(%arg11 : memref<!tpu.dma_semaphore, #tpu.memory_space<semaphore_mem>>)
      %dma_start3A_19 = arith.constant 1 : i32
      %dma_start3A_20 = arith.constant 0 : i32
      %dma_start3A_21 = arith.constant 0 : i32
      %dma_start3A_22 = tpu.memref_slice %arg10[%dma_start3A_19, %dma_start3A_20, %dma_start3A_21] : memref<2x256x128xf32, #tpu.memory_space<vmem>> -> memref<1x256x128xf32, #tpu.memory_space<vmem>>
      %dma_start3A_23 = tpu.memref_squeeze %dma_start3A_22 : memref<1x256x128xf32, #tpu.memory_space<vmem>> -> memref<256x128xf32, #tpu.memory_space<vmem>>
      %dma_start3A_24 = tpu.memref_slice %arg9[%mul3A_10] : memref<512xi32, #tpu.memory_space<vmem>> -> memref<256xi32, #tpu.memory_space<vmem>>
      %dma_start3A_25 = arith.constant 0 : i32
      %dma_start3A_26 = arith.constant 0 : i32
      %dma_start3A_27 = tpu.memref_slice %arg5[%dma_start3A_25, %dma_start3A_26] : memref<126464x128xf32, #tpu.memory_space<hbm>> -> memref<126464x128xf32, #tpu.memory_space<hbm>>
      tpu.enqueue_indirect_dma source(%dma_start3A_27 : memref<126464x128xf32, #tpu.memory_space<hbm>>) target(%dma_start3A_23 : memref<256x128xf32, #tpu.memory_space<vmem>>) offsets(%dma_start3A_24 : memref<256xi32, #tpu.memory_space<vmem>>) semaphore(%arg11 : memref<!tpu.dma_semaphore, #tpu.memory_space<semaphore_mem>>)
      %dma_wait3A = arith.constant 0 : i32
      %dma_wait3A_28 = arith.constant 0 : i32
      %dma_wait3A_29 = arith.constant 0 : i32
      %dma_wait3A_30 = tpu.memref_slice %arg10[%dma_wait3A, %dma_wait3A_28, %dma_wait3A_29] : memref<2x256x128xf32, #tpu.memory_space<vmem>> -> memref<1x256x128xf32, #tpu.memory_space<vmem>>
      %dma_wait3A_31 = tpu.memref_squeeze %dma_wait3A_30 : memref<1x256x128xf32, #tpu.memory_space<vmem>> -> memref<256x128xf32, #tpu.memory_space<vmem>>
      %dma_wait3A_32 = tpu.memref_slice %arg8[%mul3A_10] : memref<512xi32, #tpu.memory_space<vmem>> -> memref<256xi32, #tpu.memory_space<vmem>>
      %dma_wait3A_33 = arith.constant 0 : i32
      %dma_wait3A_34 = arith.constant 0 : i32
      %dma_wait3A_35 = tpu.memref_slice %arg4[%dma_wait3A_33, %dma_wait3A_34] : memref<126464x128xf32, #tpu.memory_space<hbm>> -> memref<126464x128xf32, #tpu.memory_space<hbm>>
      tpu.wait_indirect_dma semaphore(%arg11 : memref<!tpu.dma_semaphore, #tpu.memory_space<semaphore_mem>>) src(%dma_wait3A_35 : memref<126464x128xf32, #tpu.memory_space<hbm>>) dst(%dma_wait3A_31 : memref<256x128xf32, #tpu.memory_space<vmem>>)
      %dma_wait3A_36 = arith.constant 1 : i32
      %dma_wait3A_37 = arith.constant 0 : i32
      %dma_wait3A_38 = arith.constant 0 : i32
      %dma_wait3A_39 = tpu.memref_slice %arg10[%dma_wait3A_36, %dma_wait3A_37, %dma_wait3A_38] : memref<2x256x128xf32, #tpu.memory_space<vmem>> -> memref<1x256x128xf32, #tpu.memory_space<vmem>>
      %dma_wait3A_40 = tpu.memref_squeeze %dma_wait3A_39 : memref<1x256x128xf32, #tpu.memory_space<vmem>> -> memref<256x128xf32, #tpu.memory_space<vmem>>
      %dma_wait3A_41 = tpu.memref_slice %arg9[%mul3A_10] : memref<512xi32, #tpu.memory_space<vmem>> -> memref<256xi32, #tpu.memory_space<vmem>>
      %dma_wait3A_42 = arith.constant 0 : i32
      %dma_wait3A_43 = arith.constant 0 : i32
      %dma_wait3A_44 = tpu.memref_slice %arg5[%dma_wait3A_42, %dma_wait3A_43] : memref<126464x128xf32, #tpu.memory_space<hbm>> -> memref<126464x128xf32, #tpu.memory_space<hbm>>
      tpu.wait_indirect_dma semaphore(%arg11 : memref<!tpu.dma_semaphore, #tpu.memory_space<semaphore_mem>>) src(%dma_wait3A_44 : memref<126464x128xf32, #tpu.memory_space<hbm>>) dst(%dma_wait3A_40 : memref<256x128xf32, #tpu.memory_space<vmem>>)
      %add3A_45 = arith.addi %mul3A_2, %mul3A_10 : i32
      %run_scoped3A = arith.constant 0 : i32
      "tpu.region"() ({
        %run_scoped3A_48 = tpu.sem_alloc : memref<!tpu.dma_semaphore, #tpu.memory_space<semaphore_mem>>
        %dma_start3A_49 = arith.constant 0 : i32
        %dma_start3A_50 = arith.constant 0 : i32
        %dma_start3A_51 = tpu.memref_slice %arg10[%run_scoped3A, %dma_start3A_49, %dma_start3A_50] : memref<2x256x128xf32, #tpu.memory_space<vmem>> -> memref<1x256x128xf32, #tpu.memory_space<vmem>>
        %dma_start3A_52 = tpu.memref_squeeze %dma_start3A_51 : memref<1x256x128xf32, #tpu.memory_space<vmem>> -> memref<256x128xf32, #tpu.memory_space<vmem>>
        %dma_start3A_53 = arith.constant 0 : i32
        %dma_start3A_54 = tpu.memref_slice %arg6[%add3A_45, %dma_start3A_53] : memref<16384x128xf32, #tpu.memory_space<hbm>> -> memref<256x128xf32, #tpu.memory_space<hbm>>
        %dma_start3A_55 = arith.constant 0 : i32
        %dma_start3A_56 = tpu.memref_slice %arg6[%add3A_45, %dma_start3A_55] : memref<16384x128xf32, #tpu.memory_space<hbm>> -> memref<256x128xf32, #tpu.memory_space<hbm>>
        %dma_start3A_57 = arith.constant 0 : i32
        %dma_start3A_58 = arith.constant 0 : i32
        %dma_start3A_59 = tpu.memref_slice %arg10[%run_scoped3A, %dma_start3A_57, %dma_start3A_58] : memref<2x256x128xf32, #tpu.memory_space<vmem>> -> memref<1x256x128xf32, #tpu.memory_space<vmem>>
        %dma_start3A_60 = tpu.memref_squeeze %dma_start3A_59 : memref<1x256x128xf32, #tpu.memory_space<vmem>> -> memref<256x128xf32, #tpu.memory_space<vmem>>
        tpu.enqueue_dma source(%dma_start3A_60 : memref<256x128xf32, #tpu.memory_space<vmem>>) target(%dma_start3A_56 : memref<256x128xf32, #tpu.memory_space<hbm>>) target_semaphore(%run_scoped3A_48 : memref<!tpu.dma_semaphore, #tpu.memory_space<semaphore_mem>>)
        %dma_wait3A_61 = arith.constant 0 : i32
        %dma_wait3A_62 = arith.constant 0 : i32
        %dma_wait3A_63 = tpu.memref_slice %arg10[%run_scoped3A, %dma_wait3A_61, %dma_wait3A_62] : memref<2x256x128xf32, #tpu.memory_space<vmem>> -> memref<1x256x128xf32, #tpu.memory_space<vmem>>
        %dma_wait3A_64 = tpu.memref_squeeze %dma_wait3A_63 : memref<1x256x128xf32, #tpu.memory_space<vmem>> -> memref<256x128xf32, #tpu.memory_space<vmem>>
        %dma_wait3A_65 = arith.constant 0 : i32
        %dma_wait3A_66 = tpu.memref_slice %arg6[%add3A_45, %dma_wait3A_65] : memref<16384x128xf32, #tpu.memory_space<hbm>> -> memref<256x128xf32, #tpu.memory_space<hbm>>
        %dma_wait3A_67 = arith.constant 0 : i32
        %dma_wait3A_68 = tpu.memref_slice %arg6[%add3A_45, %dma_wait3A_67] : memref<16384x128xf32, #tpu.memory_space<hbm>> -> memref<256x128xf32, #tpu.memory_space<hbm>>
        %dma_wait3A_69 = arith.constant 0 : i32
        %dma_wait3A_70 = arith.constant 0 : i32
        %dma_wait3A_71 = tpu.memref_slice %arg10[%run_scoped3A, %dma_wait3A_69, %dma_wait3A_70] : memref<2x256x128xf32, #tpu.memory_space<vmem>> -> memref<1x256x128xf32, #tpu.memory_space<vmem>>
        %dma_wait3A_72 = tpu.memref_squeeze %dma_wait3A_71 : memref<1x256x128xf32, #tpu.memory_space<vmem>> -> memref<256x128xf32, #tpu.memory_space<vmem>>
        tpu.wait_dma2 semaphore(%run_scoped3A_48 : memref<!tpu.dma_semaphore, #tpu.memory_space<semaphore_mem>>) src(%dma_wait3A_72 : memref<256x128xf32, #tpu.memory_space<vmem>>) dst(%dma_wait3A_68 : memref<256x128xf32, #tpu.memory_space<hbm>>)
        tpu.yield
      }) : () -> ()
      %add3A_46 = arith.addi %mul3A_2, %mul3A_10 : i32
      %run_scoped3A_47 = arith.constant 1 : i32
      "tpu.region"() ({
        %run_scoped3A_48 = tpu.sem_alloc : memref<!tpu.dma_semaphore, #tpu.memory_space<semaphore_mem>>
        %dma_start3A_49 = arith.constant 0 : i32
        %dma_start3A_50 = arith.constant 0 : i32
        %dma_start3A_51 = tpu.memref_slice %arg10[%run_scoped3A_47, %dma_start3A_49, %dma_start3A_50] : memref<2x256x128xf32, #tpu.memory_space<vmem>> -> memref<1x256x128xf32, #tpu.memory_space<vmem>>
        %dma_start3A_52 = tpu.memref_squeeze %dma_start3A_51 : memref<1x256x128xf32, #tpu.memory_space<vmem>> -> memref<256x128xf32, #tpu.memory_space<vmem>>
        %dma_start3A_53 = arith.constant 0 : i32
        %dma_start3A_54 = tpu.memref_slice %arg7[%add3A_46, %dma_start3A_53] : memref<16384x128xf32, #tpu.memory_space<hbm>> -> memref<256x128xf32, #tpu.memory_space<hbm>>
        %dma_start3A_55 = arith.constant 0 : i32
        %dma_start3A_56 = tpu.memref_slice %arg7[%add3A_46, %dma_start3A_55] : memref<16384x128xf32, #tpu.memory_space<hbm>> -> memref<256x128xf32, #tpu.memory_space<hbm>>
        %dma_start3A_57 = arith.constant 0 : i32
        %dma_start3A_58 = arith.constant 0 : i32
        %dma_start3A_59 = tpu.memref_slice %arg10[%run_scoped3A_47, %dma_start3A_57, %dma_start3A_58] : memref<2x256x128xf32, #tpu.memory_space<vmem>> -> memref<1x256x128xf32, #tpu.memory_space<vmem>>
        %dma_start3A_60 = tpu.memref_squeeze %dma_start3A_59 : memref<1x256x128xf32, #tpu.memory_space<vmem>> -> memref<256x128xf32, #tpu.memory_space<vmem>>
        tpu.enqueue_dma source(%dma_start3A_60 : memref<256x128xf32, #tpu.memory_space<vmem>>) target(%dma_start3A_56 : memref<256x128xf32, #tpu.memory_space<hbm>>) target_semaphore(%run_scoped3A_48 : memref<!tpu.dma_semaphore, #tpu.memory_space<semaphore_mem>>)
        %dma_wait3A_61 = arith.constant 0 : i32
        %dma_wait3A_62 = arith.constant 0 : i32
        %dma_wait3A_63 = tpu.memref_slice %arg10[%run_scoped3A_47, %dma_wait3A_61, %dma_wait3A_62] : memref<2x256x128xf32, #tpu.memory_space<vmem>> -> memref<1x256x128xf32, #tpu.memory_space<vmem>>
        %dma_wait3A_64 = tpu.memref_squeeze %dma_wait3A_63 : memref<1x256x128xf32, #tpu.memory_space<vmem>> -> memref<256x128xf32, #tpu.memory_space<vmem>>
        %dma_wait3A_65 = arith.constant 0 : i32
        %dma_wait3A_66 = tpu.memref_slice %arg7[%add3A_46, %dma_wait3A_65] : memref<16384x128xf32, #tpu.memory_space<hbm>> -> memref<256x128xf32, #tpu.memory_space<hbm>>
        %dma_wait3A_67 = arith.constant 0 : i32
        %dma_wait3A_68 = tpu.memref_slice %arg7[%add3A_46, %dma_wait3A_67] : memref<16384x128xf32, #tpu.memory_space<hbm>> -> memref<256x128xf32, #tpu.memory_space<hbm>>
        %dma_wait3A_69 = arith.constant 0 : i32
        %dma_wait3A_70 = arith.constant 0 : i32
        %dma_wait3A_71 = tpu.memref_slice %arg10[%run_scoped3A_47, %dma_wait3A_69, %dma_wait3A_70] : memref<2x256x128xf32, #tpu.memory_space<vmem>> -> memref<1x256x128xf32, #tpu.memory_space<vmem>>
        %dma_wait3A_72 = tpu.memref_squeeze %dma_wait3A_71 : memref<1x256x128xf32, #tpu.memory_space<vmem>> -> memref<256x128xf32, #tpu.memory_space<vmem>>
        tpu.wait_dma2 semaphore(%run_scoped3A_48 : memref<!tpu.dma_semaphore, #tpu.memory_space<semaphore_mem>>) src(%dma_wait3A_72 : memref<256x128xf32, #tpu.memory_space<vmem>>) dst(%dma_wait3A_68 : memref<256x128xf32, #tpu.memory_space<hbm>>)
        tpu.yield
      }) : () -> ()
    }
    %scan3A_7 = arith.constant 2 : i32
    return
  }
}

module attributes {stable_mosaic.version = 14 : i64} {
  func.func @body(%arg0: i32, %arg1: memref<16x1664xf32, #tpu.memory_space<vmem>>, %arg2: memref<16x1664xf32, #tpu.memory_space<vmem>>, %arg3: memref<16x1664xf32, #tpu.memory_space<vmem>>, %arg4: memref<16x1664xf32, #tpu.memory_space<vmem>>, %arg5: memref<16x1664xf32, #tpu.memory_space<vmem>>, %arg6: memref<16x1664xf32, #tpu.memory_space<vmem>>, %arg7: memref<16x1664xf32, #tpu.memory_space<vmem>>, %arg8: memref<16x1664xf32, #tpu.memory_space<vmem>>, %arg9: memref<1664x128xf32, #tpu.memory_space<vmem>>) attributes {dimension_semantics = [#tpu.dimension_semantics<arbitrary>], iteration_bounds = array<i64: 76>, scalar_prefetch = 0 : i64, scratch_operands = 0 : i64, tpu.core_type = #tpu.core_type<tc>, window_params = [{transform_indices = @transform_0, window_bounds = array<i64: 16, 1664>}, {transform_indices = @transform_1, window_bounds = array<i64: 16, 1664>}, {transform_indices = @transform_2, window_bounds = array<i64: 16, 1664>}, {transform_indices = @transform_3, window_bounds = array<i64: 16, 1664>}, {transform_indices = @transform_4, window_bounds = array<i64: 16, 1664>}, {transform_indices = @transform_5, window_bounds = array<i64: 16, 1664>}, {transform_indices = @transform_6, window_bounds = array<i64: 16, 1664>}, {transform_indices = @transform_7, window_bounds = array<i64: 16, 1664>}, {transform_indices = @transform_8, window_bounds = array<i64: 1664, 128>}]} {
    %get3A = arith.constant 0 : index
    %get3A_0 = arith.constant 0 : index
    %get3A_1 = vector.load %arg1[%get3A, %get3A_0] : memref<16x1664xf32, #tpu.memory_space<vmem>>, vector<16x1664xf32>
    %get3A_2 = arith.constant 0 : index
    %get3A_3 = arith.constant 0 : index
    %get3A_4 = vector.load %arg2[%get3A_2, %get3A_3] : memref<16x1664xf32, #tpu.memory_space<vmem>>, vector<16x1664xf32>
    %get3A_5 = arith.constant 0 : index
    %get3A_6 = arith.constant 0 : index
    %get3A_7 = vector.load %arg3[%get3A_5, %get3A_6] : memref<16x1664xf32, #tpu.memory_space<vmem>>, vector<16x1664xf32>
    %get3A_8 = arith.constant 0 : index
    %get3A_9 = arith.constant 0 : index
    %get3A_10 = vector.load %arg4[%get3A_8, %get3A_9] : memref<16x1664xf32, #tpu.memory_space<vmem>>, vector<16x1664xf32>
    %get3A_11 = arith.constant 0 : index
    %get3A_12 = arith.constant 0 : index
    %get3A_13 = vector.load %arg5[%get3A_11, %get3A_12] : memref<16x1664xf32, #tpu.memory_space<vmem>>, vector<16x1664xf32>
    %get3A_14 = arith.constant 0 : index
    %get3A_15 = arith.constant 0 : index
    %get3A_16 = vector.load %arg6[%get3A_14, %get3A_15] : memref<16x1664xf32, #tpu.memory_space<vmem>>, vector<16x1664xf32>
    %get3A_17 = arith.constant 0 : index
    %get3A_18 = arith.constant 0 : index
    %get3A_19 = vector.load %arg7[%get3A_17, %get3A_18] : memref<16x1664xf32, #tpu.memory_space<vmem>>, vector<16x1664xf32>
    %get3A_20 = arith.constant 0 : index
    %get3A_21 = arith.constant 0 : index
    %get3A_22 = vector.load %arg8[%get3A_20, %get3A_21] : memref<16x1664xf32, #tpu.memory_space<vmem>>, vector<16x1664xf32>
    %concatenate3A = tpu.concatenate %get3A_1, %get3A_4, %get3A_7, %get3A_10, %get3A_13, %get3A_16, %get3A_19, %get3A_22 in 0 : vector<16x1664xf32>, vector<16x1664xf32>, vector<16x1664xf32>, vector<16x1664xf32>, vector<16x1664xf32>, vector<16x1664xf32>, vector<16x1664xf32>, vector<16x1664xf32> -> vector<128x1664xf32>
    %transpose3A = tpu.transpose %concatenate3A, [1, 0] : vector<128x1664xf32> -> vector<1664x128xf32>
    %swap3A = arith.constant 0 : index
    %swap3A_23 = arith.constant 0 : index
    %swap3A_24 = vector.load %arg9[%swap3A, %swap3A_23] : memref<1664x128xf32, #tpu.memory_space<vmem>>, vector<1664x128xf32>
    tpu.vector_store %arg9[%swap3A, %swap3A_23], %transpose3A {strides = array<i32>} : memref<1664x128xf32, #tpu.memory_space<vmem>>, vector<1664x128xf32>,
    return
  }
  func.func @transform_0(%arg0: i32) -> (i32, i32) {
    %add3A = arith.constant 0 : i32
    %add3A_0 = arith.addi %arg0, %add3A : i32
    %c0_i32 = arith.constant 0 : i32
    %c0_i32_1 = arith.constant 0 : i32
    return %c0_i32, %add3A_0 : i32, i32
  }
  func.func @transform_1(%arg0: i32) -> (i32, i32) {
    %add3A = arith.constant 76 : i32
    %add3A_0 = arith.addi %arg0, %add3A : i32
    %c0_i32 = arith.constant 0 : i32
    %c0_i32_1 = arith.constant 0 : i32
    return %c0_i32, %add3A_0 : i32, i32
  }
  func.func @transform_2(%arg0: i32) -> (i32, i32) {
    %add3A = arith.constant 152 : i32
    %add3A_0 = arith.addi %arg0, %add3A : i32
    %c0_i32 = arith.constant 0 : i32
    %c0_i32_1 = arith.constant 0 : i32
    return %c0_i32, %add3A_0 : i32, i32
  }
  func.func @transform_3(%arg0: i32) -> (i32, i32) {
    %add3A = arith.constant 228 : i32
    %add3A_0 = arith.addi %arg0, %add3A : i32
    %c0_i32 = arith.constant 0 : i32
    %c0_i32_1 = arith.constant 0 : i32
    return %c0_i32, %add3A_0 : i32, i32
  }
  func.func @transform_4(%arg0: i32) -> (i32, i32) {
    %add3A = arith.constant 304 : i32
    %add3A_0 = arith.addi %arg0, %add3A : i32
    %c0_i32 = arith.constant 0 : i32
    %c0_i32_1 = arith.constant 0 : i32
    return %c0_i32, %add3A_0 : i32, i32
  }
  func.func @transform_5(%arg0: i32) -> (i32, i32) {
    %add3A = arith.constant 380 : i32
    %add3A_0 = arith.addi %arg0, %add3A : i32
    %c0_i32 = arith.constant 0 : i32
    %c0_i32_1 = arith.constant 0 : i32
    return %c0_i32, %add3A_0 : i32, i32
  }
  func.func @transform_6(%arg0: i32) -> (i32, i32) {
    %add3A = arith.constant 456 : i32
    %add3A_0 = arith.addi %arg0, %add3A : i32
    %c0_i32 = arith.constant 0 : i32
    %c0_i32_1 = arith.constant 0 : i32
    return %c0_i32, %add3A_0 : i32, i32
  }
  func.func @transform_7(%arg0: i32) -> (i32, i32) {
    %add3A = arith.constant 525 : i32
    %add3A_0 = arith.addi %arg0, %add3A : i32
    %c0_i32 = arith.constant 0 : i32
    %c0_i32_1 = arith.constant 0 : i32
    return %c0_i32, %add3A_0 : i32, i32
  }
  func.func @transform_8(%arg0: i32) -> (i32, i32) {
    %c0_i32 = arith.constant 0 : i32
    %c0_i32_0 = arith.constant 0 : i32
    return %arg0, %c0_i32 : i32, i32
  }
}

module attributes {stable_mosaic.version = 14 : i64} {
  func.func @body(%arg0: i32, %arg1: memref<32x1664xf32, #tpu.memory_space<vmem>>, %arg2: memref<32x1664xf32, #tpu.memory_space<vmem>>, %arg3: memref<32x1664xf32, #tpu.memory_space<vmem>>, %arg4: memref<32x1664xf32, #tpu.memory_space<vmem>>, %arg5: memref<1664x128xf32, #tpu.memory_space<vmem>>) attributes {dimension_semantics = [#tpu.dimension_semantics<arbitrary>], iteration_bounds = array<i64: 151>, scalar_prefetch = 0 : i64, scratch_operands = 0 : i64, tpu.core_type = #tpu.core_type<tc>, window_params = [{transform_indices = @transform_0, window_bounds = array<i64: 32, 1664>}, {transform_indices = @transform_1, window_bounds = array<i64: 32, 1664>}, {transform_indices = @transform_2, window_bounds = array<i64: 32, 1664>}, {transform_indices = @transform_3, window_bounds = array<i64: 32, 1664>}, {transform_indices = @transform_4, window_bounds = array<i64: 1664, 128>}]} {
    %get3A = arith.constant 0 : index
    %get3A_0 = arith.constant 0 : index
    %get3A_1 = vector.load %arg1[%get3A, %get3A_0] : memref<32x1664xf32, #tpu.memory_space<vmem>>, vector<32x1664xf32>
    %get3A_2 = arith.constant 0 : index
    %get3A_3 = arith.constant 0 : index
    %get3A_4 = vector.load %arg2[%get3A_2, %get3A_3] : memref<32x1664xf32, #tpu.memory_space<vmem>>, vector<32x1664xf32>
    %get3A_5 = arith.constant 0 : index
    %get3A_6 = arith.constant 0 : index
    %get3A_7 = vector.load %arg3[%get3A_5, %get3A_6] : memref<32x1664xf32, #tpu.memory_space<vmem>>, vector<32x1664xf32>
    %get3A_8 = arith.constant 0 : index
    %get3A_9 = arith.constant 0 : index
    %get3A_10 = vector.load %arg4[%get3A_8, %get3A_9] : memref<32x1664xf32, #tpu.memory_space<vmem>>, vector<32x1664xf32>
    %concatenate3A = tpu.concatenate %get3A_1, %get3A_4, %get3A_7, %get3A_10 in 0 : vector<32x1664xf32>, vector<32x1664xf32>, vector<32x1664xf32>, vector<32x1664xf32> -> vector<128x1664xf32>
    %transpose3A = tpu.transpose %concatenate3A, [1, 0] : vector<128x1664xf32> -> vector<1664x128xf32>
    %swap3A = arith.constant 0 : index
    %swap3A_11 = arith.constant 0 : index
    %swap3A_12 = vector.load %arg5[%swap3A, %swap3A_11] : memref<1664x128xf32, #tpu.memory_space<vmem>>, vector<1664x128xf32>
    tpu.vector_store %arg5[%swap3A, %swap3A_11], %transpose3A {strides = array<i32>} : memref<1664x128xf32, #tpu.memory_space<vmem>>, vector<1664x128xf32>,
    return
  }
  func.func @transform_0(%arg0: i32) -> (i32, i32) {
    %add3A = arith.constant 0 : i32
    %add3A_0 = arith.addi %arg0, %add3A : i32
    %c0_i32 = arith.constant 0 : i32
    %c0_i32_1 = arith.constant 0 : i32
    return %c0_i32, %add3A_0 : i32, i32
  }
  func.func @transform_1(%arg0: i32) -> (i32, i32) {
    %add3A = arith.constant 151 : i32
    %add3A_0 = arith.addi %arg0, %add3A : i32
    %c0_i32 = arith.constant 0 : i32
    %c0_i32_1 = arith.constant 0 : i32
    return %c0_i32, %add3A_0 : i32, i32
  }
  func.func @transform_2(%arg0: i32) -> (i32, i32) {
    %add3A = arith.constant 302 : i32
    %add3A_0 = arith.addi %arg0, %add3A : i32
    %c0_i32 = arith.constant 0 : i32
    %c0_i32_1 = arith.constant 0 : i32
    return %c0_i32, %add3A_0 : i32, i32
  }
  func.func @transform_3(%arg0: i32) -> (i32, i32) {
    %add3A = arith.constant 450 : i32
    %add3A_0 = arith.addi %arg0, %add3A : i32
    %c0_i32 = arith.constant 0 : i32
    %c0_i32_1 = arith.constant 0 : i32
    return %c0_i32, %add3A_0 : i32, i32
  }
  func.func @transform_4(%arg0: i32) -> (i32, i32) {
    %c0_i32 = arith.constant 0 : i32
    %c0_i32_0 = arith.constant 0 : i32
    return %arg0, %c0_i32 : i32, i32
  }
}

module attributes {stable_mosaic.version = 14 : i64} {
  func.func @_tc_mlp_body(%arg0: i32, %arg1: memref<2048x128xf32, #tpu.memory_space<vmem>>, %arg2: memref<2048x128xf32, #tpu.memory_space<vmem>>, %arg3: memref<2048x128xf32, #tpu.memory_space<vmem>>, %arg4: memref<2048x128xf32, #tpu.memory_space<vmem>>, %arg5: memref<2048x1xi32, #tpu.memory_space<vmem>>, %arg6: memref<2048x1xi32, #tpu.memory_space<vmem>>, %arg7: memref<2048x1xi32, #tpu.memory_space<vmem>>, %arg8: memref<2048x1xi32, #tpu.memory_space<vmem>>, %arg9: memref<128x16xf32, #tpu.memory_space<vmem>>, %arg10: memref<128x32xf32, #tpu.memory_space<vmem>>, %arg11: memref<128x32xf32, #tpu.memory_space<vmem>>, %arg12: memref<1x32xf32, #tpu.memory_space<vmem>>, %arg13: memref<32x16xf32, #tpu.memory_space<vmem>>, %arg14: memref<1x16xf32, #tpu.memory_space<vmem>>, %arg15: memref<16x1xf32, #tpu.memory_space<vmem>>, %arg16: memref<16x1xf32, #tpu.memory_space<vmem>>, %arg17: memref<1x1xf32, #tpu.memory_space<vmem>>, %arg18: memref<2048x1xf32, #tpu.memory_space<vmem>>) attributes {dimension_semantics = [#tpu.dimension_semantics<arbitrary>], iteration_bounds = array<i64: 8>, scalar_prefetch = 0 : i64, scratch_operands = 0 : i64, tpu.core_type = #tpu.core_type<tc>, window_params = [{transform_indices = @transform_0, window_bounds = array<i64: 2048, 128>}, {transform_indices = @transform_1, window_bounds = array<i64: 2048, 128>}, {transform_indices = @transform_2, window_bounds = array<i64: 2048, 128>}, {transform_indices = @transform_3, window_bounds = array<i64: 2048, 128>}, {transform_indices = @transform_4, window_bounds = array<i64: 2048, 1>}, {transform_indices = @transform_5, window_bounds = array<i64: 2048, 1>}, {transform_indices = @transform_6, window_bounds = array<i64: 2048, 1>}, {transform_indices = @transform_7, window_bounds = array<i64: 2048, 1>}, {pipeline_mode = #tpu.pipeline_mode<synchronous>, transform_indices = @transform_8, window_bounds = array<i64: 128, 16>}, {pipeline_mode = #tpu.pipeline_mode<synchronous>, transform_indices = @transform_9, window_bounds = array<i64: 128, 32>}, {pipeline_mode = #tpu.pipeline_mode<synchronous>, transform_indices = @transform_10, window_bounds = array<i64: 128, 32>}, {pipeline_mode = #tpu.pipeline_mode<synchronous>, transform_indices = @transform_11, window_bounds = array<i64: 1, 32>}, {pipeline_mode = #tpu.pipeline_mode<synchronous>, transform_indices = @transform_12, window_bounds = array<i64: 32, 16>}, {pipeline_mode = #tpu.pipeline_mode<synchronous>, transform_indices = @transform_13, window_bounds = array<i64: 1, 16>}, {pipeline_mode = #tpu.pipeline_mode<synchronous>, transform_indices = @transform_14, window_bounds = array<i64: 16, 1>}, {pipeline_mode = #tpu.pipeline_mode<synchronous>, transform_indices = @transform_15, window_bounds = array<i64: 16, 1>}, {pipeline_mode = #tpu.pipeline_mode<synchronous>, transform_indices = @transform_16, window_bounds = array<i64: 1, 1>}, {transform_indices = @transform_17, window_bounds = array<i64: 2048, 1>}]} {
    %iota3A = tpu.iota {dimensions = array<i32: 1>} : vector<2048x128xi32>
    %jit3A = arith.constant 16 : i32
    %div3A = vector.broadcast %jit3A : i32 to vector<2048x128xi32>
    %div3A_0 = arith.divsi %iota3A, %div3A : vector<2048x128xi32>
    %sign3A = arith.constant 0 : i32
    %sign3A_1 = vector.broadcast %sign3A : i32 to vector<2048x128xi32>
    %sign3A_2 = arith.cmpi sgt, %iota3A, %sign3A_1 : vector<2048x128xi32>
    %sign3A_3 = arith.extui %sign3A_2 : vector<2048x128xi1> to vector<2048x128xi32>
    %sign3A_4 = arith.constant 0 : i32
    %sign3A_5 = vector.broadcast %sign3A_4 : i32 to vector<2048x128xi32>
    %sign3A_6 = arith.cmpi slt, %iota3A, %sign3A_5 : vector<2048x128xi32>
    %sign3A_7 = arith.extui %sign3A_6 : vector<2048x128xi1> to vector<2048x128xi32>
    %sign3A_8 = arith.subi %sign3A_3, %sign3A_7 : vector<2048x128xi32>
    %sign3A_9 = arith.constant 0 : i32
    %sign3A_10 = arith.cmpi sgt, %jit3A, %sign3A_9 : i32
    %sign3A_11 = arith.extui %sign3A_10 : i1 to i32
    %sign3A_12 = arith.constant 0 : i32
    %sign3A_13 = arith.cmpi slt, %jit3A, %sign3A_12 : i32
    %sign3A_14 = arith.extui %sign3A_13 : i1 to i32
    %sign3A_15 = arith.subi %sign3A_11, %sign3A_14 : i32
    %ne3A = vector.broadcast %sign3A_15 : i32 to vector<2048x128xi32>
    %ne3A_16 = arith.cmpi ne, %sign3A_8, %ne3A : vector<2048x128xi32>
    %rem3A = vector.broadcast %jit3A : i32 to vector<2048x128xi32>
    %rem3A_17 = arith.remsi %iota3A, %rem3A : vector<2048x128xi32>
    %ne3A_18 = arith.constant 0 : i32
    %ne3A_19 = vector.broadcast %ne3A_18 : i32 to vector<2048x128xi32>
    %ne3A_20 = arith.cmpi ne, %rem3A_17, %ne3A_19 : vector<2048x128xi32>
    %and3A = arith.andi %ne3A_16, %ne3A_20 : vector<2048x128xi1>
    %sub3A = arith.constant 1 : i32
    %sub3A_21 = vector.broadcast %sub3A : i32 to vector<2048x128xi32>
    %sub3A_22 = arith.subi %div3A_0, %sub3A_21 : vector<2048x128xi32>
    %select_n3A = arith.select %and3A, %sub3A_22, %div3A_0 : vector<2048x128xi1>, vector<2048x128xi32>
    %get3A = arith.constant 0 : index
    %get3A_23 = arith.constant 0 : index
    %get3A_24 = vector.load %arg5[%get3A, %get3A_23] : memref<2048x1xi32, #tpu.memory_space<vmem>>, vector<2048x1xi32>
    %eq3A = vector.broadcast %get3A_24 : vector<2048x1xi32> to vector<2048x128xi32>
    %eq3A_25 = arith.cmpi eq, %select_n3A, %eq3A : vector<2048x128xi32>
    %get3A_26 = arith.constant 0 : index
    %get3A_27 = arith.constant 0 : index
    %get3A_28 = vector.load %arg1[%get3A_26, %get3A_27] : memref<2048x128xf32, #tpu.memory_space<vmem>>, vector<2048x128xf32>
    %jit3A_29 = arith.constant 0.000000e+00 : f32
    %broadcast_in_dim3A = vector.broadcast %jit3A_29 : f32 to vector<2048x128xf32>
    %select_n3A_30 = arith.select %eq3A_25, %get3A_28, %broadcast_in_dim3A : vector<2048x128xi1>, vector<2048x128xf32>
    %iota3A_31 = tpu.iota {dimensions = array<i32: 1>} : vector<2048x128xi32>
    %jit3A_32 = arith.constant 16 : i32
    %div3A_33 = vector.broadcast %jit3A_32 : i32 to vector<2048x128xi32>
    %div3A_34 = arith.divsi %iota3A_31, %div3A_33 : vector<2048x128xi32>
    %sign3A_35 = arith.constant 0 : i32
    %sign3A_36 = vector.broadcast %sign3A_35 : i32 to vector<2048x128xi32>
    %sign3A_37 = arith.cmpi sgt, %iota3A_31, %sign3A_36 : vector<2048x128xi32>
    %sign3A_38 = arith.extui %sign3A_37 : vector<2048x128xi1> to vector<2048x128xi32>
    %sign3A_39 = arith.constant 0 : i32
    %sign3A_40 = vector.broadcast %sign3A_39 : i32 to vector<2048x128xi32>
    %sign3A_41 = arith.cmpi slt, %iota3A_31, %sign3A_40 : vector<2048x128xi32>
    %sign3A_42 = arith.extui %sign3A_41 : vector<2048x128xi1> to vector<2048x128xi32>
    %sign3A_43 = arith.subi %sign3A_38, %sign3A_42 : vector<2048x128xi32>
    %sign3A_44 = arith.constant 0 : i32
    %sign3A_45 = arith.cmpi sgt, %jit3A_32, %sign3A_44 : i32
    %sign3A_46 = arith.extui %sign3A_45 : i1 to i32
    %sign3A_47 = arith.constant 0 : i32
    %sign3A_48 = arith.cmpi slt, %jit3A_32, %sign3A_47 : i32
    %sign3A_49 = arith.extui %sign3A_48 : i1 to i32
    %sign3A_50 = arith.subi %sign3A_46, %sign3A_49 : i32
    %ne3A_51 = vector.broadcast %sign3A_50 : i32 to vector<2048x128xi32>
    %ne3A_52 = arith.cmpi ne, %sign3A_43, %ne3A_51 : vector<2048x128xi32>
    %rem3A_53 = vector.broadcast %jit3A_32 : i32 to vector<2048x128xi32>
    %rem3A_54 = arith.remsi %iota3A_31, %rem3A_53 : vector<2048x128xi32>
    %ne3A_55 = arith.constant 0 : i32
    %ne3A_56 = vector.broadcast %ne3A_55 : i32 to vector<2048x128xi32>
    %ne3A_57 = arith.cmpi ne, %rem3A_54, %ne3A_56 : vector<2048x128xi32>
    %and3A_58 = arith.andi %ne3A_52, %ne3A_57 : vector<2048x128xi1>
    %sub3A_59 = arith.constant 1 : i32
    %sub3A_60 = vector.broadcast %sub3A_59 : i32 to vector<2048x128xi32>
    %sub3A_61 = arith.subi %div3A_34, %sub3A_60 : vector<2048x128xi32>
    %select_n3A_62 = arith.select %and3A_58, %sub3A_61, %div3A_34 : vector<2048x128xi1>, vector<2048x128xi32>
    %get3A_63 = arith.constant 0 : index
    %get3A_64 = arith.constant 0 : index
    %get3A_65 = vector.load %arg6[%get3A_63, %get3A_64] : memref<2048x1xi32, #tpu.memory_space<vmem>>, vector<2048x1xi32>
    %eq3A_66 = vector.broadcast %get3A_65 : vector<2048x1xi32> to vector<2048x128xi32>
    %eq3A_67 = arith.cmpi eq, %select_n3A_62, %eq3A_66 : vector<2048x128xi32>
    %get3A_68 = arith.constant 0 : index
    %get3A_69 = arith.constant 0 : index
    %get3A_70 = vector.load %arg2[%get3A_68, %get3A_69] : memref<2048x128xf32, #tpu.memory_space<vmem>>, vector<2048x128xf32>
    %jit3A_71 = arith.constant 0.000000e+00 : f32
    %broadcast_in_dim3A_72 = vector.broadcast %jit3A_71 : f32 to vector<2048x128xf32>
    %select_n3A_73 = arith.select %eq3A_67, %get3A_70, %broadcast_in_dim3A_72 : vector<2048x128xi1>, vector<2048x128xf32>
    %get3A_74 = arith.constant 0 : index
    %get3A_75 = arith.constant 0 : index
    %get3A_76 = vector.load %arg9[%get3A_74, %get3A_75] : memref<128x16xf32, #tpu.memory_space<vmem>>, vector<128x16xf32>
    %dot_general3A = arith.constant dense<0.000000e+00> : vector<2048x16xf32>
    %dot_general3A_77 = tpu.matmul %select_n3A_30, %get3A_76, %dot_general3A {dimension_numbers = #tpu.dot_dimension_numbers<[1], [0], [0], [1], [0, 0, 1, 1], [], []>, transpose_lhs_hint = false} : vector<2048x128xf32>, vector<128x16xf32>, vector<2048x16xf32> -> vector<2048x16xf32>
    %get3A_78 = arith.constant 0 : index
    %get3A_79 = arith.constant 0 : index
    %get3A_80 = vector.load %arg9[%get3A_78, %get3A_79] : memref<128x16xf32, #tpu.memory_space<vmem>>, vector<128x16xf32>
    %dot_general3A_81 = arith.constant dense<0.000000e+00> : vector<2048x16xf32>
    %dot_general3A_82 = tpu.matmul %select_n3A_73, %get3A_80, %dot_general3A_81 {dimension_numbers = #tpu.dot_dimension_numbers<[1], [0], [0], [1], [0, 0, 1, 1], [], []>, transpose_lhs_hint = false} : vector<2048x128xf32>, vector<128x16xf32>, vector<2048x16xf32> -> vector<2048x16xf32>
    %mul3A = arith.mulf %dot_general3A_77, %dot_general3A_82 : vector<2048x16xf32>
    %iota3A_83 = tpu.iota {dimensions = array<i32: 1>} : vector<2048x128xi32>
    %jit3A_84 = arith.constant 32 : i32
    %div3A_85 = vector.broadcast %jit3A_84 : i32 to vector<2048x128xi32>
    %div3A_86 = arith.divsi %iota3A_83, %div3A_85 : vector<2048x128xi32>
    %sign3A_87 = arith.constant 0 : i32
    %sign3A_88 = vector.broadcast %sign3A_87 : i32 to vector<2048x128xi32>
    %sign3A_89 = arith.cmpi sgt, %iota3A_83, %sign3A_88 : vector<2048x128xi32>
    %sign3A_90 = arith.extui %sign3A_89 : vector<2048x128xi1> to vector<2048x128xi32>
    %sign3A_91 = arith.constant 0 : i32
    %sign3A_92 = vector.broadcast %sign3A_91 : i32 to vector<2048x128xi32>
    %sign3A_93 = arith.cmpi slt, %iota3A_83, %sign3A_92 : vector<2048x128xi32>
    %sign3A_94 = arith.extui %sign3A_93 : vector<2048x128xi1> to vector<2048x128xi32>
    %sign3A_95 = arith.subi %sign3A_90, %sign3A_94 : vector<2048x128xi32>
    %sign3A_96 = arith.constant 0 : i32
    %sign3A_97 = arith.cmpi sgt, %jit3A_84, %sign3A_96 : i32
    %sign3A_98 = arith.extui %sign3A_97 : i1 to i32
    %sign3A_99 = arith.constant 0 : i32
    %sign3A_100 = arith.cmpi slt, %jit3A_84, %sign3A_99 : i32
    %sign3A_101 = arith.extui %sign3A_100 : i1 to i32
    %sign3A_102 = arith.subi %sign3A_98, %sign3A_101 : i32
    %ne3A_103 = vector.broadcast %sign3A_102 : i32 to vector<2048x128xi32>
    %ne3A_104 = arith.cmpi ne, %sign3A_95, %ne3A_103 : vector<2048x128xi32>
    %rem3A_105 = vector.broadcast %jit3A_84 : i32 to vector<2048x128xi32>
    %rem3A_106 = arith.remsi %iota3A_83, %rem3A_105 : vector<2048x128xi32>
    %ne3A_107 = arith.constant 0 : i32
    %ne3A_108 = vector.broadcast %ne3A_107 : i32 to vector<2048x128xi32>
    %ne3A_109 = arith.cmpi ne, %rem3A_106, %ne3A_108 : vector<2048x128xi32>
    %and3A_110 = arith.andi %ne3A_104, %ne3A_109 : vector<2048x128xi1>
    %sub3A_111 = arith.constant 1 : i32
    %sub3A_112 = vector.broadcast %sub3A_111 : i32 to vector<2048x128xi32>
    %sub3A_113 = arith.subi %div3A_86, %sub3A_112 : vector<2048x128xi32>
    %select_n3A_114 = arith.select %and3A_110, %sub3A_113, %div3A_86 : vector<2048x128xi1>, vector<2048x128xi32>
    %get3A_115 = arith.constant 0 : index
    %get3A_116 = arith.constant 0 : index
    %get3A_117 = vector.load %arg7[%get3A_115, %get3A_116] : memref<2048x1xi32, #tpu.memory_space<vmem>>, vector<2048x1xi32>
    %eq3A_118 = vector.broadcast %get3A_117 : vector<2048x1xi32> to vector<2048x128xi32>
    %eq3A_119 = arith.cmpi eq, %select_n3A_114, %eq3A_118 : vector<2048x128xi32>
    %get3A_120 = arith.constant 0 : index
    %get3A_121 = arith.constant 0 : index
    %get3A_122 = vector.load %arg3[%get3A_120, %get3A_121] : memref<2048x128xf32, #tpu.memory_space<vmem>>, vector<2048x128xf32>
    %jit3A_123 = arith.constant 0.000000e+00 : f32
    %broadcast_in_dim3A_124 = vector.broadcast %jit3A_123 : f32 to vector<2048x128xf32>
    %select_n3A_125 = arith.select %eq3A_119, %get3A_122, %broadcast_in_dim3A_124 : vector<2048x128xi1>, vector<2048x128xf32>
    %iota3A_126 = tpu.iota {dimensions = array<i32: 1>} : vector<2048x128xi32>
    %jit3A_127 = arith.constant 32 : i32
    %div3A_128 = vector.broadcast %jit3A_127 : i32 to vector<2048x128xi32>
    %div3A_129 = arith.divsi %iota3A_126, %div3A_128 : vector<2048x128xi32>
    %sign3A_130 = arith.constant 0 : i32
    %sign3A_131 = vector.broadcast %sign3A_130 : i32 to vector<2048x128xi32>
    %sign3A_132 = arith.cmpi sgt, %iota3A_126, %sign3A_131 : vector<2048x128xi32>
    %sign3A_133 = arith.extui %sign3A_132 : vector<2048x128xi1> to vector<2048x128xi32>
    %sign3A_134 = arith.constant 0 : i32
    %sign3A_135 = vector.broadcast %sign3A_134 : i32 to vector<2048x128xi32>
    %sign3A_136 = arith.cmpi slt, %iota3A_126, %sign3A_135 : vector<2048x128xi32>
    %sign3A_137 = arith.extui %sign3A_136 : vector<2048x128xi1> to vector<2048x128xi32>
    %sign3A_138 = arith.subi %sign3A_133, %sign3A_137 : vector<2048x128xi32>
    %sign3A_139 = arith.constant 0 : i32
    %sign3A_140 = arith.cmpi sgt, %jit3A_127, %sign3A_139 : i32
    %sign3A_141 = arith.extui %sign3A_140 : i1 to i32
    %sign3A_142 = arith.constant 0 : i32
    %sign3A_143 = arith.cmpi slt, %jit3A_127, %sign3A_142 : i32
    %sign3A_144 = arith.extui %sign3A_143 : i1 to i32
    %sign3A_145 = arith.subi %sign3A_141, %sign3A_144 : i32
    %ne3A_146 = vector.broadcast %sign3A_145 : i32 to vector<2048x128xi32>
    %ne3A_147 = arith.cmpi ne, %sign3A_138, %ne3A_146 : vector<2048x128xi32>
    %rem3A_148 = vector.broadcast %jit3A_127 : i32 to vector<2048x128xi32>
    %rem3A_149 = arith.remsi %iota3A_126, %rem3A_148 : vector<2048x128xi32>
    %ne3A_150 = arith.constant 0 : i32
    %ne3A_151 = vector.broadcast %ne3A_150 : i32 to vector<2048x128xi32>
    %ne3A_152 = arith.cmpi ne, %rem3A_149, %ne3A_151 : vector<2048x128xi32>
    %and3A_153 = arith.andi %ne3A_147, %ne3A_152 : vector<2048x128xi1>
    %sub3A_154 = arith.constant 1 : i32
    %sub3A_155 = vector.broadcast %sub3A_154 : i32 to vector<2048x128xi32>
    %sub3A_156 = arith.subi %div3A_129, %sub3A_155 : vector<2048x128xi32>
    %select_n3A_157 = arith.select %and3A_153, %sub3A_156, %div3A_129 : vector<2048x128xi1>, vector<2048x128xi32>
    %get3A_158 = arith.constant 0 : index
    %get3A_159 = arith.constant 0 : index
    %get3A_160 = vector.load %arg8[%get3A_158, %get3A_159] : memref<2048x1xi32, #tpu.memory_space<vmem>>, vector<2048x1xi32>
    %eq3A_161 = vector.broadcast %get3A_160 : vector<2048x1xi32> to vector<2048x128xi32>
    %eq3A_162 = arith.cmpi eq, %select_n3A_157, %eq3A_161 : vector<2048x128xi32>
    %get3A_163 = arith.constant 0 : index
    %get3A_164 = arith.constant 0 : index
    %get3A_165 = vector.load %arg4[%get3A_163, %get3A_164] : memref<2048x128xf32, #tpu.memory_space<vmem>>, vector<2048x128xf32>
    %jit3A_166 = arith.constant 0.000000e+00 : f32
    %broadcast_in_dim3A_167 = vector.broadcast %jit3A_166 : f32 to vector<2048x128xf32>
    %select_n3A_168 = arith.select %eq3A_162, %get3A_165, %broadcast_in_dim3A_167 : vector<2048x128xi1>, vector<2048x128xf32>
    %get3A_169 = arith.constant 0 : index
    %get3A_170 = arith.constant 0 : index
    %get3A_171 = vector.load %arg10[%get3A_169, %get3A_170] : memref<128x32xf32, #tpu.memory_space<vmem>>, vector<128x32xf32>
    %dot_general3A_172 = arith.constant dense<0.000000e+00> : vector<2048x32xf32>
    %dot_general3A_173 = tpu.matmul %select_n3A_125, %get3A_171, %dot_general3A_172 {dimension_numbers = #tpu.dot_dimension_numbers<[1], [0], [0], [1], [0, 0, 1, 1], [], []>, transpose_lhs_hint = false} : vector<2048x128xf32>, vector<128x32xf32>, vector<2048x32xf32> -> vector<2048x32xf32>
    %get3A_174 = arith.constant 0 : index
    %get3A_175 = arith.constant 0 : index
    %get3A_176 = vector.load %arg11[%get3A_174, %get3A_175] : memref<128x32xf32, #tpu.memory_space<vmem>>, vector<128x32xf32>
    %dot_general3A_177 = arith.constant dense<0.000000e+00> : vector<2048x32xf32>
    %dot_general3A_178 = tpu.matmul %select_n3A_168, %get3A_176, %dot_general3A_177 {dimension_numbers = #tpu.dot_dimension_numbers<[1], [0], [0], [1], [0, 0, 1, 1], [], []>, transpose_lhs_hint = false} : vector<2048x128xf32>, vector<128x32xf32>, vector<2048x32xf32> -> vector<2048x32xf32>
    %add3A = arith.addf %dot_general3A_173, %dot_general3A_178 : vector<2048x32xf32>
    %get3A_179 = arith.constant 0 : index
    %get3A_180 = arith.constant 0 : index
    %get3A_181 = vector.load %arg12[%get3A_179, %get3A_180] : memref<1x32xf32, #tpu.memory_space<vmem>>, vector<1x32xf32>
    %add3A_182 = vector.broadcast %get3A_181 : vector<1x32xf32> to vector<2048x32xf32>
    %add3A_183 = arith.addf %add3A, %add3A_182 : vector<2048x32xf32>
    %max3A = arith.constant 0.000000e+00 : f32
    %max3A_184 = vector.broadcast %max3A : f32 to vector<2048x32xf32>
    %max3A_185 = arith.maximumf %add3A_183, %max3A_184 : vector<2048x32xf32>
    %get3A_186 = arith.constant 0 : index
    %get3A_187 = arith.constant 0 : index
    %get3A_188 = vector.load %arg13[%get3A_186, %get3A_187] : memref<32x16xf32, #tpu.memory_space<vmem>>, vector<32x16xf32>
    %dot_general3A_189 = arith.constant dense<0.000000e+00> : vector<2048x16xf32>
    %dot_general3A_190 = tpu.matmul %max3A_185, %get3A_188, %dot_general3A_189 {dimension_numbers = #tpu.dot_dimension_numbers<[1], [0], [0], [1], [0, 0, 1, 1], [], []>, transpose_lhs_hint = false} : vector<2048x32xf32>, vector<32x16xf32>, vector<2048x16xf32> -> vector<2048x16xf32>
    %get3A_191 = arith.constant 0 : index
    %get3A_192 = arith.constant 0 : index
    %get3A_193 = vector.load %arg14[%get3A_191, %get3A_192] : memref<1x16xf32, #tpu.memory_space<vmem>>, vector<1x16xf32>
    %add3A_194 = vector.broadcast %get3A_193 : vector<1x16xf32> to vector<2048x16xf32>
    %add3A_195 = arith.addf %dot_general3A_190, %add3A_194 : vector<2048x16xf32>
    %max3A_196 = arith.constant 0.000000e+00 : f32
    %max3A_197 = vector.broadcast %max3A_196 : f32 to vector<2048x16xf32>
    %max3A_198 = arith.maximumf %add3A_195, %max3A_197 : vector<2048x16xf32>
    %get3A_199 = arith.constant 0 : index
    %get3A_200 = arith.constant 0 : index
    %get3A_201 = vector.load %arg15[%get3A_199, %get3A_200] : memref<16x1xf32, #tpu.memory_space<vmem>>, vector<16x1xf32>
    %dot_general3A_202 = arith.constant dense<0.000000e+00> : vector<2048x1xf32>
    %dot_general3A_203 = tpu.matmul %mul3A, %get3A_201, %dot_general3A_202 {dimension_numbers = #tpu.dot_dimension_numbers<[1], [0], [0], [1], [0, 0, 1, 1], [], []>, transpose_lhs_hint = false} : vector<2048x16xf32>, vector<16x1xf32>, vector<2048x1xf32> -> vector<2048x1xf32>
    %get3A_204 = arith.constant 0 : index
    %get3A_205 = arith.constant 0 : index
    %get3A_206 = vector.load %arg16[%get3A_204, %get3A_205] : memref<16x1xf32, #tpu.memory_space<vmem>>, vector<16x1xf32>
    %dot_general3A_207 = arith.constant dense<0.000000e+00> : vector<2048x1xf32>
    %dot_general3A_208 = tpu.matmul %max3A_198, %get3A_206, %dot_general3A_207 {dimension_numbers = #tpu.dot_dimension_numbers<[1], [0], [0], [1], [0, 0, 1, 1], [], []>, transpose_lhs_hint = false} : vector<2048x16xf32>, vector<16x1xf32>, vector<2048x1xf32> -> vector<2048x1xf32>
    %add3A_209 = arith.addf %dot_general3A_203, %dot_general3A_208 : vector<2048x1xf32>
    %get3A_210 = arith.constant 0 : index
    %get3A_211 = arith.constant 0 : index
    %get3A_212 = vector.load %arg17[%get3A_210, %get3A_211] : memref<1x1xf32, #tpu.memory_space<vmem>>, vector<1x1xf32>
    %get3A_213 = vector.extract %get3A_212[0, 0] : f32 from vector<1x1xf32>
    %add3A_214 = vector.broadcast %get3A_213 : f32 to vector<2048x1xf32>
    %add3A_215 = arith.addf %add3A_209, %add3A_214 : vector<2048x1xf32>
    %swap3A = arith.constant 0 : index
    %swap3A_216 = arith.constant 0 : index
    %swap3A_217 = vector.load %arg18[%swap3A, %swap3A_216] : memref<2048x1xf32, #tpu.memory_space<vmem>>, vector<2048x1xf32>
    tpu.vector_store %arg18[%swap3A, %swap3A_216], %add3A_215 {strides = array<i32>} : memref<2048x1xf32, #tpu.memory_space<vmem>>, vector<2048x1xf32>,
    return
  }
  func.func @transform_0(%arg0: i32) -> (i32, i32) {
    %c0_i32 = arith.constant 0 : i32
    %c0_i32_0 = arith.constant 0 : i32
    return %arg0, %c0_i32 : i32, i32
  }
  func.func @transform_1(%arg0: i32) -> (i32, i32) {
    %c0_i32 = arith.constant 0 : i32
    %c0_i32_0 = arith.constant 0 : i32
    return %arg0, %c0_i32 : i32, i32
  }
  func.func @transform_2(%arg0: i32) -> (i32, i32) {
    %c0_i32 = arith.constant 0 : i32
    %c0_i32_0 = arith.constant 0 : i32
    return %arg0, %c0_i32 : i32, i32
  }
  func.func @transform_3(%arg0: i32) -> (i32, i32) {
    %c0_i32 = arith.constant 0 : i32
    %c0_i32_0 = arith.constant 0 : i32
    return %arg0, %c0_i32 : i32, i32
  }
  func.func @transform_4(%arg0: i32) -> (i32, i32) {
    %c0_i32 = arith.constant 0 : i32
    %c0_i32_0 = arith.constant 0 : i32
    return %arg0, %c0_i32 : i32, i32
  }
  func.func @transform_5(%arg0: i32) -> (i32, i32) {
    %c0_i32 = arith.constant 0 : i32
    %c0_i32_0 = arith.constant 0 : i32
    return %arg0, %c0_i32 : i32, i32
  }
  func.func @transform_6(%arg0: i32) -> (i32, i32) {
    %c0_i32 = arith.constant 0 : i32
    %c0_i32_0 = arith.constant 0 : i32
    return %arg0, %c0_i32 : i32, i32
  }
  func.func @transform_7(%arg0: i32) -> (i32, i32) {
    %c0_i32 = arith.constant 0 : i32
    %c0_i32_0 = arith.constant 0 : i32
    return %arg0, %c0_i32 : i32, i32
  }
  func.func @transform_8(%arg0: i32) -> (i32, i32) {
    %c0_i32 = arith.constant 0 : i32
    %c0_i32_0 = arith.constant 0 : i32
    %c0_i32_1 = arith.constant 0 : i32
    return %c0_i32, %c0_i32_0 : i32, i32
  }
  func.func @transform_9(%arg0: i32) -> (i32, i32) {
    %c0_i32 = arith.constant 0 : i32
    %c0_i32_0 = arith.constant 0 : i32
    %c0_i32_1 = arith.constant 0 : i32
    return %c0_i32, %c0_i32_0 : i32, i32
  }
  func.func @transform_10(%arg0: i32) -> (i32, i32) {
    %c0_i32 = arith.constant 0 : i32
    %c0_i32_0 = arith.constant 0 : i32
    %c0_i32_1 = arith.constant 0 : i32
    return %c0_i32, %c0_i32_0 : i32, i32
  }
  func.func @transform_11(%arg0: i32) -> (i32, i32) {
    %c0_i32 = arith.constant 0 : i32
    %c0_i32_0 = arith.constant 0 : i32
    %c0_i32_1 = arith.constant 0 : i32
    return %c0_i32, %c0_i32_0 : i32, i32
  }
  func.func @transform_12(%arg0: i32) -> (i32, i32) {
    %c0_i32 = arith.constant 0 : i32
    %c0_i32_0 = arith.constant 0 : i32
    %c0_i32_1 = arith.constant 0 : i32
    return %c0_i32, %c0_i32_0 : i32, i32
  }
  func.func @transform_13(%arg0: i32) -> (i32, i32) {
    %c0_i32 = arith.constant 0 : i32
    %c0_i32_0 = arith.constant 0 : i32
    %c0_i32_1 = arith.constant 0 : i32
    return %c0_i32, %c0_i32_0 : i32, i32
  }
  func.func @transform_14(%arg0: i32) -> (i32, i32) {
    %c0_i32 = arith.constant 0 : i32
    %c0_i32_0 = arith.constant 0 : i32
    %c0_i32_1 = arith.constant 0 : i32
    return %c0_i32, %c0_i32_0 : i32, i32
  }
  func.func @transform_15(%arg0: i32) -> (i32, i32) {
    %c0_i32 = arith.constant 0 : i32
    %c0_i32_0 = arith.constant 0 : i32
    %c0_i32_1 = arith.constant 0 : i32
    return %c0_i32, %c0_i32_0 : i32, i32
  }
  func.func @transform_16(%arg0: i32) -> (i32, i32) {
    %c0_i32 = arith.constant 0 : i32
    %c0_i32_0 = arith.constant 0 : i32
    %c0_i32_1 = arith.constant 0 : i32
    return %c0_i32, %c0_i32_0 : i32, i32
  }
  func.func @transform_17(%arg0: i32) -> (i32, i32) {
    %c0_i32 = arith.constant 0 : i32
    %c0_i32_0 = arith.constant 0 : i32
    return %arg0, %c0_i32 : i32, i32
  }
}

</mosaic_0001>

<sc_bundles>
// kernel: kernel.12.cloned.1.call-start
scs
__scs_entry_jumppad:
0x0: {  	(pc) =	sbr.rel $0x88, $3  }
0x1: {  	(tag) =	ssettag $0x0;
	lr =	simm.s32 $0x1  }
0x2: {  	[smem:$0x3F95] =	sst lr;
	_ =	strace $0xD0000000  }
0x3: {  	_ = 	snop  }
0x4: {  	_ = 	snop  }
0x5: {  	_ = 	snop  }
0x6: {  	_ = 	snop  }
0x7: {  	_ = 	snop  }
__scs_overlays_trampoline_lowered:
0x8: {  	[smem:$0x3FA4] =	sst s0  }
0x9: {  	[smem:$0x3FA5] =	sst s1  }
0xa: {  	[smem:$0x3FA6] =	sst s2  }
0xb: {  	[smem:$0x3FA7] =	sst s3  }
0xc: {  	[smem:$0x3FA8] =	sst s4  }
0xd: {  	[smem:$0x3FA9] =	sst s5  }
0xe: {  	[smem:$0x3FAA] =	sst s6  }
0xf: {  	[smem:$0x3FAB] =	sst s7  }
0x10: {  	[smem:$0x3FAC] =	sst s8  }
0x11: {  	[smem:$0x3FAD] =	sst s9;
	s0 =	simm.s32 @!p0 $0x0  }
0x12: {  	s1 =	sld [smem:$0x3F93];
	s0 =	simm.s32 @p0 $0x1  }
0x13: {  	[smem:$0x3FAE] =	sst s0;
	s0 =	simm.s32 @!p1 $0x0  }
0x14: {  	s2 =	sld [smem:$0x3F92];
	s0 =	simm.s32 @p1 $0x1  }
0x15: {  	[smem:$0x3FAF] =	sst s0;
	s0 =	simm.s32 @!p2 $0x0  }
0x16: {  	s3 =	sld [smem:$0x3FDB];
	s0 =	simm.s32 @p2 $0x1  }
0x17: {  	s4 =	simm.s32 $0x1BF5;
	[smem:$0x3FB1] =	sst s0  }
0x18: {  	s0 =	sld [smem:$0x3F94];
	_ =	swait.ge [sflag:s4], $0x0  }
0x19: {  	s7 =	sld [smem:$0x3F95]  }
0x1a: {  	s8 =	sadd.s32 $0xFFFFE003, lr  }
0x1b: {  	s9 =	sadd.s32 $0xFFFFFEF7, lr;
	s5 =	simm.s32 $0xFFFFFFFF;
	p2 =	slt.u32 s8, $0xFFFFF086  }
0x1c: {  	p1 =	slt.u32 s9, $0xF7A;
	s5 =	simm.s32 @!p2 $0x0  }
0x1d: {  	s5 =	simm.s32 @p1 $0x1;
	p0 =	seq.s32 s7, s2  }
0x1e: {  	s7 =	smul.u32 @!p0 $0xF7A, s2;
	p2 =	seq.s32 @!p0 s5, $0x0  }
0x1f: {  	s9 =	smul.u32 $0xF7A, s1;
	s8 =	simm.s32 @!p0 $0x1BF5;
	p2 =	por !p2, p0  }
0x20: {  	[sflag:s8] =	ssyncset.s32 @!p0 $0xFFFFF086;
	s6 =	sadd.s32 @!p0 s3, s7;
	s7 =	simm.s32 @!p0 $0x108  }
0x21: {  	s3 =	sadd.s32 s3, s9;
	s6 =	sadd.s32 @!p0 $0x88, s6;
	s7 =	simm.s32 @p2 $0x1082  }
0x22: {  	[simem:s7], [sflag:s8] =	dma.local @!p0 [hbm:s6], $0xF7A  }
0x23: {  	s9 =	sor.u32 $0xD0000000, s2;
	s6 =	simm.s32 $0x108;
	_ =	swait.ge @!p0 [sflag:s8], $0x0  }
0x24: {  	s3 =	sadd.s32 $0x88, s3;
	s6 =	simm.s32 @!p1 $0x1082;
	[sflag:s4] =	ssyncset.s32 $0xFFFFF086  }
0x25: {  	[simem:s6], [sflag:s4] =	dma.local [hbm:s3], $0xF7A  }
0x26: {  	[smem:$0x3F95] =	sst s1;
	(tag) =	ssettag s2;
	_ =	strace s9  }
0x27: {  	s1 =	sld [smem:$0x3FA5]  }
0x28: {  	s2 =	sld [smem:$0x3FA6]  }
0x29: {  	s4 =	sld [smem:$0x3FA8]  }
0x2a: {  	p0 =	seq.s32 s5, $0x0;
	s5 =	sld [smem:$0x3FA9]  }
0x2b: {  	s6 =	sld [smem:$0x3FAA]  }
0x2c: {  	s7 =	sld [smem:$0x3FAB]  }
0x2d: {  	s3 =	simm.s32 $0x108;
	s8 =	sld [smem:$0x3FAC]  }
0x2e: {  	s3 =	simm.s32 @!p0 $0x1082;
	s9 =	sld [smem:$0x3FAD]  }
0x2f: {  	lr =	sadd.s32 s0, s3;
	s0 =	sld [smem:$0x3FA4]  }
0x30: {  	s3 =	sld [smem:$0x3FA7]  }
0x31: {  	[smem:$0x3FB0] =	sst s10  }
0x32: {  	s10 =	sld [smem:$0x3FAE];
	_ =	sdelay $0x3  }
0x33: {  	p0 =	seq.s32 s10, $0x1;
	s10 =	sld [smem:$0x3FB0];
	_ =	sdelay $0x3  }
0x34: {  	[smem:$0x3FB0] =	sst s10  }
0x35: {  	s10 =	sld [smem:$0x3FAF];
	_ =	sdelay $0x3  }
0x36: {  	p1 =	seq.s32 s10, $0x1;
	s10 =	sld [smem:$0x3FB0];
	_ =	sdelay $0x3  }
0x37: {  	[smem:$0x3FB0] =	sst s10  }
0x38: {  	s10 =	sld [smem:$0x3FB1]  }
0x39: {  	_ = 	snop;
	(pc) =	sbr.ind lr, $3  }
0x3a: {  	_ = 	snop  }
0x3b: {  	_ = 	snop  }
0x3c: {  	p2 =	seq.s32 s10, $0x1;
	s10 =	sld [smem:$0x3FB0]  }
0x3d: {  	_ =	shalt  }
0x3e: {  	_ =	shalt  }
0x3f: {  	_ =	shalt  }
0x40: {  	_ =	shalt  }
0x41: {  	_ =	shalt  }
0x42: {  	_ =	shalt  }
0x43: {  	_ =	shalt  }
0x44: {  	_ =	shalt  }
0x45: {  	_ =	shalt  }
0x46: {  	_ =	shalt  }
0x47: {  	_ =	shalt  }
0x48: {  	_ =	shalt  }
0x49: {  	_ =	shalt  }
0x4a: {  	_ =	shalt  }
0x4b: {  	_ =	shalt  }
0x4c: {  	_ =	shalt  }
0x4d: {  	_ =	shalt  }
0x4e: {  	_ =	shalt  }
0x4f: {  	_ =	shalt  }
0x50: {  	_ =	shalt  }
0x51: {  	_ =	shalt  }
0x52: {  	_ =	shalt  }
0x53: {  	_ =	shalt  }
0x54: {  	_ =	shalt  }
0x55: {  	_ =	shalt  }
0x56: {  	_ =	shalt  }
0x57: {  	_ =	shalt  }
0x58: {  	_ =	shalt  }
0x59: {  	_ =	shalt  }
0x5a: {  	_ =	shalt  }
0x5b: {  	_ =	shalt  }
0x5c: {  	_ =	shalt  }
0x5d: {  	_ =	shalt  }
0x5e: {  	_ =	shalt  }
0x5f: {  	_ =	shalt  }
0x60: {  	_ =	shalt  }
0x61: {  	_ =	shalt  }
0x62: {  	_ =	shalt  }
0x63: {  	_ =	shalt  }
0x64: {  	_ =	shalt  }
0x65: {  	_ =	shalt  }
0x66: {  	_ =	shalt  }
0x67: {  	_ =	shalt  }
0x68: {  	_ =	shalt  }
0x69: {  	_ =	shalt  }
0x6a: {  	_ =	shalt  }
0x6b: {  	_ =	shalt  }
0x6c: {  	_ =	shalt  }
0x6d: {  	_ =	shalt  }
0x6e: {  	_ =	shalt  }
0x6f: {  	_ =	shalt  }
0x70: {  	_ =	shalt  }
0x71: {  	_ =	shalt  }
0x72: {  	_ =	shalt  }
0x73: {  	_ =	shalt  }
0x74: {  	_ =	shalt  }
0x75: {  	_ =	shalt  }
0x76: {  	_ =	shalt  }
0x77: {  	_ =	shalt  }
0x78: {  	_ =	shalt  }
0x79: {  	_ =	shalt  }
0x7a: {  	_ =	shalt  }
0x7b: {  	_ =	shalt  }
0x7c: {  	_ =	shalt  }
0x7d: {  	_ =	shalt  }
0x7e: {  	_ =	shalt  }
0x7f: {  	_ =	shalt  }
0x80: {  	_ =	shalt  }
0x81: {  	_ =	shalt  }
0x82: {  	_ =	shalt  }
0x83: {  	_ =	shalt  }
0x84: {  	_ =	shalt  }
0x85: {  	_ =	shalt  }
0x86: {  	_ =	shalt  }
0x87: {  	_ =	shalt  }
.Lfunc_end0:
.L_simem_size_0:
called_computation.1_lowered:
.L_overlay_start_0:
0x88: {  	s2 =	sld [smem:$0x3FD9]  }
0x89: {  	s3 =	sld [smem:$0x3FFE];
	_ =	sdelay $0x1  }
0x8a: {  	s1 =	srdreg.scid  }
0x8b: {  	s0 =	sand.u32 $0x1, s1  }
0x8c: {  	s16 =	sshll.u32 s0, $0xA;
	s2 =	sadd.s32 s3, s2  }
0x8d: {  	s2 =	sadd.s32 s2, s16  }
0x8e: {  	[smem:$0x3FBC] =	sst s2  }
0x8f: {  	_ = 	snop  }
0x90: {  	(tm) =	ssettm $0x1  }
0x91: {  	s17 =	sld [smem:$0x3FFB];
	_ =	sdelay $0x3  }
0x92: {  	_ =	strace s17  }
0x93: {  	s2 =	sld [smem:$0x3FFC];
	_ =	sdelay $0x3  }
0x94: {  	_ =	strace s2  }
0x95: {  	s2 =	sld [smem:$0x3FFD];
	_ =	sdelay $0x3  }
0x96: {  	_ =	strace s2  }
0x97: {  	_ =	strace $0x8FFFFFFF  }
0x98: {  	s18 =	sld [smem:$0x3FDB];
	_ =	sdelay $0x1  }
0x99: {  	s19 =	simm.s32 $_scs_section_size  }
0x9a: {  	s4 =	simm.s32 $_size__tile_overlayer_lowered;
	s5 =	simm.s32 $_tile_overlayer_lowered  }
0x9b: {  	s22 =	simm.s32 $0x1BFF;
	s21 =	sshll.u32 s5, $0x1;
	s2 =	sadd.s32 s19, s18  }
0x9c: {  	s6 =	simm.s32 $0x0;
	s20 =	sshll.u32 s4, $0x1;
	s4 =	sadd.s32 s21, s2  }
0x9d: {  	[timem:s6], [sflag:s22] =	dma.local [hbm:s4], s20  }
0x9e: {  	_ =	swait.ge [sflag:s22], s20  }
0x9f: {  	s3 =	ssub.s32 $0x0, s20;
	[sflag:s22] =	ssyncset.done $0x0  }
0xa0: {  	[sflag:s22] =	ssyncadd.s32 s3;
	_ =	sdelay $0x1  }
0xa1: {  	s23 =	simm.s32 $0x1B8B  }
0xa2: {  	_ =	swait.ge [sflag:s23], $0x1  }
0xa3: {  	[sflag:s23] =	ssyncset.done $0x0  }
0xa4: {  	s25 =	simm.s32 $0x1B8E;
	s24 =	sld [smem:$0x3FFE];
	[sflag:s23] =	ssyncadd.s32 $0xFFFFFFFF  }
0xa5: {  	s26 =	simm.s32 $execute0_lowered;
	[smem:$0x3FD2] =	sst s25  }
0xa6: {  	s4 =	sshll.u32 s26, $0x1;
	_ =	strace $0x80000046;
	[dreg:$0x1] =	wrdreg $0xFFFFFFFF  }
0xa7: {  	s28 =	simm.s32 $_size_execute0_lowered;
	s2 =	sadd.s32 s2, s4;
	[dreg:$0x0] =	wrdreg $0x0  }
0xa8: {  	s4 =	sshll.u32 s28, $0x1;
	[dreg:$0x2] =	wrdreg s2  }
0xa9: {  	[dreg:$0x3] =	wrdreg s4  }
0xaa: {  	[dreg:$0x4] =	wrdreg $0xC0  }
0xab: {  	_ =	task [dreg:s6], $0x5FFFF  }
0xac: {  	[dreg:$0x1] =	wrdreg $0xFFFFFFFF  }
0xad: {  	[dreg:$0x0] =	wrdreg $0x60  }
0xae: {  	[dreg:$0x2] =	wrdreg s24  }
0xaf: {  	[dreg:$0x3] =	wrdreg $0xA  }
0xb0: {  	_ =	task.clear_ibuf [dreg:s6], $0x4FFFF;
	_ =	strace $0x90000046  }
0xb1: {  	s29 =	simm.s32 $0xA;
	_ =	strace $0x80000048  }
0xb2: {  	_ =	swait.ge [sflag:s29], $0x1  }
0xb3: {  	[sflag:s29] =	ssyncadd.s32 $0xFFFFFFFF  }
0xb4: {  	_ =	strace $0x90000048  }
0xb5: {  	_ =	sfence  }
0xb6: {  	s30 =	sld [smem:$0x0];
	_ =	sdelay $0x2  }
0xb7: {  	s31 =	sshll.u32 s1, $0xD;
	s1 =	sshrl.u32 s1, $0x2  }
0xb8: {  	s3 =	sand.u32 $0x4000, s31;
	s1 =	sadd.s32 s1, s30  }
0xb9: {  	s0 =	sor.u32 s3, s0;
	s1 =	sshll.u32 s1, $0x11  }
0xba: {  	s0 =	sor.u32 s1, s0  }
0xbb: {  	s0 =	sadd.s32 $0x8F2B, s0  }
0xbc: {  	[sflag:s0] =	ssyncadd.remote.s32 $0x1  }
0xbd: {  	_ =	sfence.sel $0xFFFF  }
0xbe: {  	[dreg:$0x0] =	wrdreg $0xFFFFFFFF;
	(pc) =	sbr.abs _section_cstart, $3  }
0xbf: {  	[dreg:$0x1] =	wrdreg $0xFFFFFFFF  }
0xc0: {  	_ =	task.clear_ibuf [dreg:s6], $0x2FFFF;
	_ =	strace $0x9FFFFFFF  }
0xc1: {  	(tm) =	ssettm $0x7FFFFFFF  }
tec
execute0_lowered:
.L_overlay_start_1:
0x0: {  	(tag) =	ssettag $0x1  }
0x1: {  	s1 =	srdreg.scid  }
0x2: {  	s0 =	stileid.u32;
	s16 =	sand.u32 $0x1, s1  }
0x3: {  	s29 =	sshll.u32 s0, $0xA;
	s2 =	sshll.u32 s16, $0x9  }
0x4: {  	s14 =	rddreg [dreg:$0x0];
	s13 =	sor.u32 s2, s29  }
0x5: {  	s1 =	rddreg [dreg:$0x1];
	s2 =	simm.s32 $0x0;
	s3 =	sshrl.u32 s13, $0x3  }
0x6: {  	[smem:$0x7FF] =	sst s2;
	s5 =	sadd.s32 s3, s14  }
0x7: {  	_ =	strace $0x80000047;
	s3 =	simm.s32 $0x2;
	s4 =	sadd.s32 $0x7B0000, s5  }
0x8: {  	[tilespmem:s2], [sflag:$0x2] =	stream.linear.gather [hbm4b:s4+s2], $0x200, $0x38;
	[tilespmem:$0x10400] =	vst v63  }
0x9: {  	_ =	swait.ge [sflag:s3], $0x200  }
0xa: {  	[sflag:s3] =	ssyncset.done $0x0  }
0xb: {  	s6 =	simm.s32 $0x200;
	s5 =	sadd.s32 $0x7AF800, s5;
	[sflag:s3] =	ssyncadd.s32 $0xFFFFFE00  }
0xc: {  	[tilespmem:s6], [sflag:$0x2] =	stream.linear.gather [hbm4b:s5+s2], $0x200, $0x38;
	[tilespmem:$0x10400] =	vst v63  }
0xd: {  	_ =	swait.ge [sflag:s3], $0x200  }
0xe: {  	s8 =	simm.s32 $0x100;
	[sflag:s3] =	ssyncset.done $0x0  }
0xf: {  	s9 =	simm.s32 $0x400;
	s7 =	sadd.s32 $0x3000, s14;
	[sflag:s3] =	ssyncadd.s32 $0xFFFFFE00  }
0x10: {  	[tilespmem:s9], [sflag:$0x1] =	stream.indirect.gather [hbm4b:s7+s8], $0x80, s2, s8, $0xb8;
	[tilespmem:$0x10400] =	vst v63  }
0x11: {  	s11 =	simm.s32 $0x8400;
	s12 =	simm.s32 $0x1;
	s10 =	sadd.s32 $0x3D8800, s14  }
0x12: {  	[tilespmem:s11], [sflag:$0x1] =	stream.indirect.gather [hbm4b:s10+s8], $0x80, s6, s8, $0xb8;
	[tilespmem:$0x10400] =	vst v63  }
0x13: {  	_ =	swait.ge [sflag:s12], $0x8000  }
0x14: {  	[sflag:s12] =	ssyncset.done $0x0  }
0x15: {  	[sflag:s12] =	ssyncadd.s32 $0xFFFF8000  }
0x16: {  	_ =	swait.ge [sflag:s12], $0x8000  }
0x17: {  	s17 =	sadd.s32 $0x7B1800, s14;
	s18 =	sshll.u32 s13, $0x4;
	[sflag:s12] =	ssyncset.done $0x0  }
0x18: {  	s13 =	sadd.s32 s17, s18;
	[sflag:s12] =	ssyncadd.s32 $0xFFFF8000  }
0x19: {  	[hbm4b:s13+s2] =	stream.linear.scatter [tilespmem:s9], [sflag:$0x2], $0x8000, $0x38;
	[tilespmem:$0x10400] =	vst v63  }
0x1a: {  	_ =	swait.ge [sflag:s3], $0x8000  }
0x1b: {  	s19 =	sadd.s32 $0x7F1800, s14;
	[sflag:s3] =	ssyncset.done $0x0  }
0x1c: {  	s14 =	sadd.s32 s19, s18;
	[sflag:s3] =	ssyncadd.s32 $0xFFFF8000  }
0x1d: {  	[hbm4b:s14+s2] =	stream.linear.scatter [tilespmem:s11], [sflag:$0x2], $0x8000, $0x38;
	[tilespmem:$0x10400] =	vst v63  }
0x1e: {  	_ =	swait.ge [sflag:s3], $0x8000  }
0x1f: {  	[sflag:s3] =	ssyncset.done $0x0  }
0x20: {  	[sflag:s3] =	ssyncadd.s32 $0xFFFF8000  }
0x21: {  	[tilespmem:s9], [sflag:$0x1] =	stream.indirect.gather [hbm4b:s7+s8], $0x80, s8, s8, $0xb8;
	[tilespmem:$0x10400] =	vst v63  }
0x22: {  	s15 =	simm.s32 $0x300  }
0x23: {  	[tilespmem:s11], [sflag:$0x1] =	stream.indirect.gather [hbm4b:s10+s8], $0x80, s15, s8, $0xb8;
	[tilespmem:$0x10400] =	vst v63  }
0x24: {  	_ =	swait.ge [sflag:s12], $0x8000  }
0x25: {  	[sflag:s12] =	ssyncset.done $0x0  }
0x26: {  	s20 =	ssub.s32 $0x2, s16;
	[sflag:s12] =	ssyncadd.s32 $0xFFFF8000  }
0x27: {  	s30 =	sshrl.u32 s20, $0x1;
	_ =	swait.ge [sflag:s12], $0x8000  }
0x28: {  	s20 =	ssub.s32 s20, s30;
	s18 =	sor.u32 $0x1000, s18;
	[sflag:s12] =	ssyncset.done $0x0  }
0x29: {  	s31 =	smax.u32 s20, $0x1;
	s16 =	sadd.s32 s17, s18;
	[sflag:s12] =	ssyncadd.s32 $0xFFFF8000  }
0x2a: {  	[hbm4b:s16+s2] =	stream.linear.scatter [tilespmem:s9], [sflag:$0x2], $0x8000, $0x38;
	[tilespmem:$0x10400] =	vst v63  }
0x2b: {  	p0 =	sne.s32 s31, $0x1;
	_ =	swait.ge [sflag:s3], $0x8000  }
.Ltmp0:
0x2c: {  	[sflag:s3] =	ssyncset.done $0x0;
	(pc) =	sbr.rel @!p0 .LBB2_2-.Ltmp0, $4  }
0x2d: {  	s17 =	sadd.s32 s19, s18;
	[sflag:s3] =	ssyncadd.s32 $0xFFFF8000  }
0x2e: {  	[hbm4b:s17+s2] =	stream.linear.scatter [tilespmem:s11], [sflag:$0x2], $0x8000, $0x38;
	[tilespmem:$0x10400] =	vst v63  }
0x2f: {  	_ =	swait.ge [sflag:s3], $0x8000  }
0x30: {  	s18 =	sadd.s32 $0xFFFFFFFF, s31;
	[sflag:s3] =	ssyncset.done $0x0  }
.LBB2_1:
0x31: {  	p0 =	sne.s32 s18, $0x1;
	s18 =	sadd.s32 $0xFFFFFFFF, s18;
	[sflag:s3] =	ssyncadd.s32 $0xFFFF8000  }
0x32: {  	[tilespmem:s2], [sflag:$0x2] =	stream.linear.gather [hbm4b:s4+s2], $0x200, $0x38;
	[tilespmem:$0x10400] =	vst v63  }
0x33: {  	_ =	swait.ge [sflag:s3], $0x200  }
0x34: {  	[sflag:s3] =	ssyncset.done $0x0  }
0x35: {  	[sflag:s3] =	ssyncadd.s32 $0xFFFFFE00  }
0x36: {  	[tilespmem:s6], [sflag:$0x2] =	stream.linear.gather [hbm4b:s5+s2], $0x200, $0x38;
	[tilespmem:$0x10400] =	vst v63  }
0x37: {  	_ =	swait.ge [sflag:s3], $0x200  }
0x38: {  	[sflag:s3] =	ssyncset.done $0x0  }
0x39: {  	[sflag:s3] =	ssyncadd.s32 $0xFFFFFE00  }
0x3a: {  	[tilespmem:s9], [sflag:$0x1] =	stream.indirect.gather [hbm4b:s7+s8], $0x80, s2, s8, $0xb8;
	[tilespmem:$0x10400] =	vst v63  }
0x3b: {  	_ = 	snop  }
0x3c: {  	[tilespmem:s11], [sflag:$0x1] =	stream.indirect.gather [hbm4b:s10+s8], $0x80, s6, s8, $0xb8;
	[tilespmem:$0x10400] =	vst v63  }
0x3d: {  	_ =	swait.ge [sflag:s12], $0x8000  }
0x3e: {  	[sflag:s12] =	ssyncset.done $0x0  }
0x3f: {  	[sflag:s12] =	ssyncadd.s32 $0xFFFF8000  }
0x40: {  	_ =	swait.ge [sflag:s12], $0x8000  }
0x41: {  	[sflag:s12] =	ssyncset.done $0x0  }
0x42: {  	[sflag:s12] =	ssyncadd.s32 $0xFFFF8000  }
0x43: {  	[hbm4b:s13+s2] =	stream.linear.scatter [tilespmem:s9], [sflag:$0x2], $0x8000, $0x38;
	[tilespmem:$0x10400] =	vst v63  }
0x44: {  	_ =	swait.ge [sflag:s3], $0x8000  }
0x45: {  	[sflag:s3] =	ssyncset.done $0x0  }
0x46: {  	[sflag:s3] =	ssyncadd.s32 $0xFFFF8000  }
0x47: {  	[hbm4b:s14+s2] =	stream.linear.scatter [tilespmem:s11], [sflag:$0x2], $0x8000, $0x38;
	[tilespmem:$0x10400] =	vst v63  }
0x48: {  	_ =	swait.ge [sflag:s3], $0x8000  }
0x49: {  	[sflag:s3] =	ssyncset.done $0x0  }
0x4a: {  	[sflag:s3] =	ssyncadd.s32 $0xFFFF8000  }
0x4b: {  	[tilespmem:s9], [sflag:$0x1] =	stream.indirect.gather [hbm4b:s7+s8], $0x80, s8, s8, $0xb8;
	[tilespmem:$0x10400] =	vst v63  }
0x4c: {  	_ = 	snop  }
0x4d: {  	[tilespmem:s11], [sflag:$0x1] =	stream.indirect.gather [hbm4b:s10+s8], $0x80, s15, s8, $0xb8;
	[tilespmem:$0x10400] =	vst v63  }
0x4e: {  	_ =	swait.ge [sflag:s12], $0x8000  }
0x4f: {  	[sflag:s12] =	ssyncset.done $0x0  }
0x50: {  	[sflag:s12] =	ssyncadd.s32 $0xFFFF8000  }
0x51: {  	_ =	swait.ge [sflag:s12], $0x8000  }
0x52: {  	[sflag:s12] =	ssyncset.done $0x0  }
0x53: {  	[sflag:s12] =	ssyncadd.s32 $0xFFFF8000  }
0x54: {  	[hbm4b:s16+s2] =	stream.linear.scatter [tilespmem:s9], [sflag:$0x2], $0x8000, $0x38;
	[tilespmem:$0x10400] =	vst v63  }
0x55: {  	_ =	swait.ge [sflag:s3], $0x8000  }
.Ltmp1:
0x56: {  	[sflag:s3] =	ssyncset.done $0x0;
	(pc) =	sbr.rel @p0 .LBB2_1-.Ltmp1, $4  }
0x57: {  	[sflag:s3] =	ssyncadd.s32 $0xFFFF8000  }
0x58: {  	[hbm4b:s17+s2] =	stream.linear.scatter [tilespmem:s11], [sflag:$0x2], $0x8000, $0x38;
	[tilespmem:$0x10400] =	vst v63  }
0x59: {  	_ =	swait.ge [sflag:s3], $0x8000  }
0x5a: {  	[sflag:s3] =	ssyncset.done $0x0  }
.LBB2_2:
0x5b: {  	[sflag:s3] =	ssyncadd.s32 $0xFFFF8000  }
0x5c: {  	_ =	sfence.sel $0x180000  }
0x5d: {  	[bflag:$0x0] =	sbarrier.arrive $0xFFFF  }
0x5e: {  	p0 =	sne.s32 s0, $0x0;
	_ =	strace $0x90000047  }
0x5f: {  	s0 =	sadd.s32 @!p0 $0x100000, s1;
	[bflag:$0x2] =	sbarrier.arrive $0xFFFF  }
0x60: {  	[sflag:s0] =	ssyncadd.tile.s32 @!p0 $0x1;
	_ =	shalt  }
.Lfunc_end2:
_tile_overlayer_lowered:
.L_overlay_start_2:
0x61: {  	(tag) =	ssettag $0x2  }
0x62: {  	s0 =	rddreg [dreg:$0x0];
	s2 =	stileid.u32  }
0x63: {  	s1 =	rddreg [dreg:$0x1];
	p0 =	sne.s32 s2, $0x0  }
0x64: {  	s3 =	rddreg [dreg:$0x2];
	[bflag:$0x3] =	sbarrier.arrive $0xFFFF;
	s2 =	simm.s32 @!p0 $0x1C02  }
0x65: {  	[timem:s3], [sflag:s2] =	dma.local @!p0 [hbm:s0], s1  }
0x66: {  	s0 =	simm.s32 @!p0 $0x2  }
0x67: {  	_ =	swait.ge @!p0 [sflag:s0], s1  }
0x68: {  	s1 =	ssub.s32 @!p0 $0x0, s1;
	[sflag:s0] =	ssyncset.done @!p0 $0x0  }
0x69: {  	[sflag:s0] =	ssyncadd.s32 @!p0 s1  }
0x6a: {  	[bflag:$0x3] =	sbarrier.arrive $0xFFFF  }
0x6b: {  	_ =	shalt  }

// kernel: kernel.9.cloned.1.call-start
scs
__scs_entry_jumppad:
0x0: {  	(pc) =	sbr.rel $0x88, $3  }
0x1: {  	(tag) =	ssettag $0x0;
	lr =	simm.s32 $0x1  }
0x2: {  	[smem:$0x3F95] =	sst lr;
	_ =	strace $0xD0000000  }
0x3: {  	_ = 	snop  }
0x4: {  	_ = 	snop  }
0x5: {  	_ = 	snop  }
0x6: {  	_ = 	snop  }
0x7: {  	_ = 	snop  }
__scs_overlays_trampoline_lowered:
0x8: {  	[smem:$0x3FA4] =	sst s0  }
0x9: {  	[smem:$0x3FA5] =	sst s1  }
0xa: {  	[smem:$0x3FA6] =	sst s2  }
0xb: {  	[smem:$0x3FA7] =	sst s3  }
0xc: {  	[smem:$0x3FA8] =	sst s4  }
0xd: {  	[smem:$0x3FA9] =	sst s5  }
0xe: {  	[smem:$0x3FAA] =	sst s6  }
0xf: {  	[smem:$0x3FAB] =	sst s7  }
0x10: {  	[smem:$0x3FAC] =	sst s8  }
0x11: {  	[smem:$0x3FAD] =	sst s9;
	s0 =	simm.s32 @!p0 $0x0  }
0x12: {  	s1 =	sld [smem:$0x3F93];
	s0 =	simm.s32 @p0 $0x1  }
0x13: {  	[smem:$0x3FAE] =	sst s0;
	s0 =	simm.s32 @!p1 $0x0  }
0x14: {  	s2 =	sld [smem:$0x3F92];
	s0 =	simm.s32 @p1 $0x1  }
0x15: {  	[smem:$0x3FAF] =	sst s0;
	s0 =	simm.s32 @!p2 $0x0  }
0x16: {  	s3 =	sld [smem:$0x3FDB];
	s0 =	simm.s32 @p2 $0x1  }
0x17: {  	s4 =	simm.s32 $0x1BF5;
	[smem:$0x3FB1] =	sst s0  }
0x18: {  	s0 =	sld [smem:$0x3F94];
	_ =	swait.ge [sflag:s4], $0x0  }
0x19: {  	s7 =	sld [smem:$0x3F95]  }
0x1a: {  	s8 =	sadd.s32 $0xFFFFE003, lr  }
0x1b: {  	s9 =	sadd.s32 $0xFFFFFEF7, lr;
	s5 =	simm.s32 $0xFFFFFFFF;
	p2 =	slt.u32 s8, $0xFFFFF086  }
0x1c: {  	p1 =	slt.u32 s9, $0xF7A;
	s5 =	simm.s32 @!p2 $0x0  }
0x1d: {  	s5 =	simm.s32 @p1 $0x1;
	p0 =	seq.s32 s7, s2  }
0x1e: {  	s7 =	smul.u32 @!p0 $0xF7A, s2;
	p2 =	seq.s32 @!p0 s5, $0x0  }
0x1f: {  	s9 =	smul.u32 $0xF7A, s1;
	s8 =	simm.s32 @!p0 $0x1BF5;
	p2 =	por !p2, p0  }
0x20: {  	[sflag:s8] =	ssyncset.s32 @!p0 $0xFFFFF086;
	s6 =	sadd.s32 @!p0 s3, s7;
	s7 =	simm.s32 @!p0 $0x108  }
0x21: {  	s3 =	sadd.s32 s3, s9;
	s6 =	sadd.s32 @!p0 $0x88, s6;
	s7 =	simm.s32 @p2 $0x1082  }
0x22: {  	[simem:s7], [sflag:s8] =	dma.local @!p0 [hbm:s6], $0xF7A  }
0x23: {  	s9 =	sor.u32 $0xD0000000, s2;
	s6 =	simm.s32 $0x108;
	_ =	swait.ge @!p0 [sflag:s8], $0x0  }
0x24: {  	s3 =	sadd.s32 $0x88, s3;
	s6 =	simm.s32 @!p1 $0x1082;
	[sflag:s4] =	ssyncset.s32 $0xFFFFF086  }
0x25: {  	[simem:s6], [sflag:s4] =	dma.local [hbm:s3], $0xF7A  }
0x26: {  	[smem:$0x3F95] =	sst s1;
	(tag) =	ssettag s2;
	_ =	strace s9  }
0x27: {  	s1 =	sld [smem:$0x3FA5]  }
0x28: {  	s2 =	sld [smem:$0x3FA6]  }
0x29: {  	s4 =	sld [smem:$0x3FA8]  }
0x2a: {  	p0 =	seq.s32 s5, $0x0;
	s5 =	sld [smem:$0x3FA9]  }
0x2b: {  	s6 =	sld [smem:$0x3FAA]  }
0x2c: {  	s7 =	sld [smem:$0x3FAB]  }
0x2d: {  	s3 =	simm.s32 $0x108;
	s8 =	sld [smem:$0x3FAC]  }
0x2e: {  	s3 =	simm.s32 @!p0 $0x1082;
	s9 =	sld [smem:$0x3FAD]  }
0x2f: {  	lr =	sadd.s32 s0, s3;
	s0 =	sld [smem:$0x3FA4]  }
0x30: {  	s3 =	sld [smem:$0x3FA7]  }
0x31: {  	[smem:$0x3FB0] =	sst s10  }
0x32: {  	s10 =	sld [smem:$0x3FAE];
	_ =	sdelay $0x3  }
0x33: {  	p0 =	seq.s32 s10, $0x1;
	s10 =	sld [smem:$0x3FB0];
	_ =	sdelay $0x3  }
0x34: {  	[smem:$0x3FB0] =	sst s10  }
0x35: {  	s10 =	sld [smem:$0x3FAF];
	_ =	sdelay $0x3  }
0x36: {  	p1 =	seq.s32 s10, $0x1;
	s10 =	sld [smem:$0x3FB0];
	_ =	sdelay $0x3  }
0x37: {  	[smem:$0x3FB0] =	sst s10  }
0x38: {  	s10 =	sld [smem:$0x3FB1]  }
0x39: {  	_ = 	snop;
	(pc) =	sbr.ind lr, $3  }
0x3a: {  	_ = 	snop  }
0x3b: {  	_ = 	snop  }
0x3c: {  	p2 =	seq.s32 s10, $0x1;
	s10 =	sld [smem:$0x3FB0]  }
0x3d: {  	_ =	shalt  }
0x3e: {  	_ =	shalt  }
0x3f: {  	_ =	shalt  }
0x40: {  	_ =	shalt  }
0x41: {  	_ =	shalt  }
0x42: {  	_ =	shalt  }
0x43: {  	_ =	shalt  }
0x44: {  	_ =	shalt  }
0x45: {  	_ =	shalt  }
0x46: {  	_ =	shalt  }
0x47: {  	_ =	shalt  }
0x48: {  	_ =	shalt  }
0x49: {  	_ =	shalt  }
0x4a: {  	_ =	shalt  }
0x4b: {  	_ =	shalt  }
0x4c: {  	_ =	shalt  }
0x4d: {  	_ =	shalt  }
0x4e: {  	_ =	shalt  }
0x4f: {  	_ =	shalt  }
0x50: {  	_ =	shalt  }
0x51: {  	_ =	shalt  }
0x52: {  	_ =	shalt  }
0x53: {  	_ =	shalt  }
0x54: {  	_ =	shalt  }
0x55: {  	_ =	shalt  }
0x56: {  	_ =	shalt  }
0x57: {  	_ =	shalt  }
0x58: {  	_ =	shalt  }
0x59: {  	_ =	shalt  }
0x5a: {  	_ =	shalt  }
0x5b: {  	_ =	shalt  }
0x5c: {  	_ =	shalt  }
0x5d: {  	_ =	shalt  }
0x5e: {  	_ =	shalt  }
0x5f: {  	_ =	shalt  }
0x60: {  	_ =	shalt  }
0x61: {  	_ =	shalt  }
0x62: {  	_ =	shalt  }
0x63: {  	_ =	shalt  }
0x64: {  	_ =	shalt  }
0x65: {  	_ =	shalt  }
0x66: {  	_ =	shalt  }
0x67: {  	_ =	shalt  }
0x68: {  	_ =	shalt  }
0x69: {  	_ =	shalt  }
0x6a: {  	_ =	shalt  }
0x6b: {  	_ =	shalt  }
0x6c: {  	_ =	shalt  }
0x6d: {  	_ =	shalt  }
0x6e: {  	_ =	shalt  }
0x6f: {  	_ =	shalt  }
0x70: {  	_ =	shalt  }
0x71: {  	_ =	shalt  }
0x72: {  	_ =	shalt  }
0x73: {  	_ =	shalt  }
0x74: {  	_ =	shalt  }
0x75: {  	_ =	shalt  }
0x76: {  	_ =	shalt  }
0x77: {  	_ =	shalt  }
0x78: {  	_ =	shalt  }
0x79: {  	_ =	shalt  }
0x7a: {  	_ =	shalt  }
0x7b: {  	_ =	shalt  }
0x7c: {  	_ =	shalt  }
0x7d: {  	_ =	shalt  }
0x7e: {  	_ =	shalt  }
0x7f: {  	_ =	shalt  }
0x80: {  	_ =	shalt  }
0x81: {  	_ =	shalt  }
0x82: {  	_ =	shalt  }
0x83: {  	_ =	shalt  }
0x84: {  	_ =	shalt  }
0x85: {  	_ =	shalt  }
0x86: {  	_ =	shalt  }
0x87: {  	_ =	shalt  }
.Lfunc_end0:
.L_simem_size_0:
called_computation_lowered:
.L_overlay_start_0:
0x88: {  	s2 =	sld [smem:$0x3FD9]  }
0x89: {  	s3 =	sld [smem:$0x3FFE];
	_ =	sdelay $0x1  }
0x8a: {  	s1 =	srdreg.scid  }
0x8b: {  	s0 =	sand.u32 $0x1, s1  }
0x8c: {  	s17 =	sshll.u32 s0, $0xA;
	s2 =	sadd.s32 s3, s2  }
0x8d: {  	s2 =	sadd.s32 s2, s17  }
0x8e: {  	[smem:$0x3FBC] =	sst s2  }
0x8f: {  	_ = 	snop  }
0x90: {  	(tm) =	ssettm $0x1  }
0x91: {  	s18 =	sld [smem:$0x3FFB];
	_ =	sdelay $0x3  }
0x92: {  	_ =	strace s18  }
0x93: {  	s2 =	sld [smem:$0x3FFC];
	_ =	sdelay $0x3  }
0x94: {  	_ =	strace s2  }
0x95: {  	s2 =	sld [smem:$0x3FFD];
	_ =	sdelay $0x3  }
0x96: {  	_ =	strace s2  }
0x97: {  	_ =	strace $0x8FFFFFFF  }
0x98: {  	s19 =	sld [smem:$0x3FDB];
	_ =	sdelay $0x1  }
0x99: {  	s20 =	simm.s32 $_scs_section_size  }
0x9a: {  	s4 =	simm.s32 $_size__tile_overlayer_lowered;
	s5 =	simm.s32 $_tile_overlayer_lowered  }
0x9b: {  	s6 =	simm.s32 $0x1BFF;
	s21 =	sshll.u32 s5, $0x1;
	s3 =	sadd.s32 s20, s19  }
0x9c: {  	s22 =	simm.s32 $0x0;
	s4 =	sshll.u32 s4, $0x1;
	s5 =	sadd.s32 s21, s3  }
0x9d: {  	[timem:s22], [sflag:s6] =	dma.local [hbm:s5], s4  }
0x9e: {  	_ =	swait.ge [sflag:s6], s4  }
0x9f: {  	s4 =	ssub.s32 $0x0, s4;
	[sflag:s6] =	ssyncset.done $0x0  }
0xa0: {  	[sflag:s6] =	ssyncadd.s32 s4;
	_ =	sdelay $0x1  }
0xa1: {  	s23 =	simm.s32 $0x1B8B  }
0xa2: {  	_ =	swait.ge [sflag:s23], $0x1  }
0xa3: {  	[sflag:s23] =	ssyncset.done $0x0  }
0xa4: {  	[sflag:s23] =	ssyncadd.s32 $0xFFFFFFFF  }
0xa5: {  	s4 =	sld [smem:$0x0]  }
0xa6: {  	s5 =	sand.u32 $0xFFFFFFFE, s1  }
0xa7: {  	p0 =	sne.s32 s1, s5  }
0xa8: {  	s5 =	sshll.u32 @p0 s5, $0xE  }
0xa9: {  	s5 =	sadd.s32 @p0 $0x11B8D, s5;
	s6 =	sshll.u32 @p0 s4, $0x11  }
0xaa: {  	s5 =	sor.u32 @p0 s6, s5  }
0xab: {  	[sflag:s5] =	ssyncadd.remote.s32 @p0 $0x1;
	_ =	sdelay $0x1  }
0xac: {  	s5 =	simm.s32 @p0 $0x1B8D  }
0xad: {  	_ =	swait.eq @p0 [sflag:s5], $0x1  }
0xae: {  	[sflag:s5] =	ssyncadd.s32 @p0 $0xFFFFFFFF  }
0xaf: {  	s6 =	sshll.u32 @!p0 s1, $0xE  }
0xb0: {  	s6 =	sor.u32 @!p0 $0x4000, s6;
	s5 =	simm.s32 @!p0 $0x1B8D  }
0xb1: {  	s4 =	sshll.u32 @!p0 s4, $0x11;
	s6 =	sadd.s32 @!p0 $0x11B8D, s6;
	_ =	swait.eq @!p0 [sflag:s5], $0x1  }
0xb2: {  	s4 =	sor.u32 @!p0 s4, s6;
	[sflag:s5] =	ssyncadd.s32 @!p0 $0xFFFFFFFF  }
0xb3: {  	s25 =	simm.s32 $0x1B8E;
	s24 =	sld [smem:$0x3FFE];
	[sflag:s4] =	ssyncadd.remote.s32 @!p0 $0x1  }
0xb4: {  	s26 =	simm.s32 $execute0_lowered;
	[smem:$0x3FD2] =	sst s25  }
0xb5: {  	s5 =	sshll.u32 s26, $0x1;
	_ =	strace $0x80000049;
	[dreg:$0x1] =	wrdreg $0xFFFFFFFF  }
0xb6: {  	s28 =	simm.s32 $_size_execute0_lowered;
	s3 =	sadd.s32 s3, s5;
	[dreg:$0x0] =	wrdreg $0x0  }
0xb7: {  	s5 =	sshll.u32 s28, $0x1;
	[dreg:$0x2] =	wrdreg s3  }
0xb8: {  	[dreg:$0x3] =	wrdreg s5  }
0xb9: {  	[dreg:$0x4] =	wrdreg $0xC0  }
0xba: {  	_ =	task [dreg:s22], $0x5FFFF  }
0xbb: {  	[dreg:$0x1] =	wrdreg $0xFFFFFFFF  }
0xbc: {  	[dreg:$0x0] =	wrdreg $0x60  }
0xbd: {  	[dreg:$0x2] =	wrdreg s24  }
0xbe: {  	[dreg:$0x3] =	wrdreg $0x9  }
0xbf: {  	_ =	task.clear_ibuf [dreg:s22], $0x4FFFF;
	_ =	strace $0x90000049  }
0xc0: {  	s29 =	simm.s32 $0x9;
	_ =	strace $0x8000004B  }
0xc1: {  	_ =	swait.ge [sflag:s29], $0x1  }
0xc2: {  	[sflag:s29] =	ssyncadd.s32 $0xFFFFFFFF  }
0xc3: {  	_ =	strace $0x9000004B  }
0xc4: {  	_ =	sfence  }
0xc5: {  	s30 =	sld [smem:$0x0];
	_ =	sdelay $0x2  }
0xc6: {  	s31 =	sshll.u32 s1, $0xD;
	s1 =	sshrl.u32 s1, $0x2  }
0xc7: {  	s4 =	sand.u32 $0x4000, s31;
	s1 =	sadd.s32 s1, s30  }
0xc8: {  	s0 =	sor.u32 s4, s0;
	s1 =	sshll.u32 s1, $0x11  }
0xc9: {  	s0 =	sor.u32 s1, s0  }
0xca: {  	s0 =	sadd.s32 $0x8F2B, s0  }
0xcb: {  	[sflag:s0] =	ssyncadd.remote.s32 $0x1  }
0xcc: {  	_ =	sfence.sel $0xFFFF  }
0xcd: {  	[dreg:$0x0] =	wrdreg $0xFFFFFFFF;
	(pc) =	sbr.abs _section_cstart, $3  }
0xce: {  	[dreg:$0x1] =	wrdreg $0xFFFFFFFF  }
0xcf: {  	_ =	task.clear_ibuf [dreg:s22], $0x2FFFF;
	_ =	strace $0x9FFFFFFF  }
0xd0: {  	(tm) =	ssettm $0x7FFFFFFF  }
0xd1: {  	_ =	shalt  }
tec
execute0_lowered:
.L_overlay_start_1:
0x0: {  	(tag) =	ssettag $0x1  }
0x1: {  	s1 =	srdreg.scid  }
0x2: {  	s0 =	stileid.u32;
	s16 =	sand.u32 $0x1, s1  }
0x3: {  	s29 =	sshll.u32 s0, $0xA;
	s2 =	sshll.u32 s16, $0x9  }
0x4: {  	s14 =	rddreg [dreg:$0x0];
	s13 =	sor.u32 s2, s29  }
0x5: {  	s1 =	rddreg [dreg:$0x1];
	s2 =	simm.s32 $0x0;
	s3 =	sshrl.u32 s13, $0x3  }
0x6: {  	[smem:$0x7FF] =	sst s2;
	s5 =	sadd.s32 s3, s14  }
0x7: {  	_ =	strace $0x8000004A;
	s3 =	simm.s32 $0x2;
	s4 =	sadd.s32 $0x7B1000, s5  }
0x8: {  	[tilespmem:s2], [sflag:$0x2] =	stream.linear.gather [hbm4b:s4+s2], $0x200, $0x38;
	[tilespmem:$0x10400] =	vst v63  }
0x9: {  	_ =	swait.ge [sflag:s3], $0x200  }
0xa: {  	[sflag:s3] =	ssyncset.done $0x0  }
0xb: {  	s6 =	simm.s32 $0x200;
	s5 =	sadd.s32 $0x7B0800, s5;
	[sflag:s3] =	ssyncadd.s32 $0xFFFFFE00  }
0xc: {  	[tilespmem:s6], [sflag:$0x2] =	stream.linear.gather [hbm4b:s5+s2], $0x200, $0x38;
	[tilespmem:$0x10400] =	vst v63  }
0xd: {  	_ =	swait.ge [sflag:s3], $0x200  }
0xe: {  	s8 =	simm.s32 $0x100;
	[sflag:s3] =	ssyncset.done $0x0  }
0xf: {  	s9 =	simm.s32 $0x400;
	s7 =	sadd.s32 $0x831800, s14;
	[sflag:s3] =	ssyncadd.s32 $0xFFFFFE00  }
0x10: {  	[tilespmem:s9], [sflag:$0x1] =	stream.indirect.gather [hbm4b:s7+s8], $0x80, s2, s8, $0xb8;
	[tilespmem:$0x10400] =	vst v63  }
0x11: {  	s11 =	simm.s32 $0x8400;
	s12 =	simm.s32 $0x1;
	s10 =	sadd.s32 $0xA1F800, s14  }
0x12: {  	[tilespmem:s11], [sflag:$0x1] =	stream.indirect.gather [hbm4b:s10+s8], $0x80, s6, s8, $0xb8;
	[tilespmem:$0x10400] =	vst v63  }
0x13: {  	_ =	swait.ge [sflag:s12], $0x8000  }
0x14: {  	[sflag:s12] =	ssyncset.done $0x0  }
0x15: {  	[sflag:s12] =	ssyncadd.s32 $0xFFFF8000  }
0x16: {  	_ =	swait.ge [sflag:s12], $0x8000  }
0x17: {  	s17 =	sadd.s32 $0xC0D800, s14;
	s18 =	sshll.u32 s13, $0x4;
	[sflag:s12] =	ssyncset.done $0x0  }
0x18: {  	s13 =	sadd.s32 s17, s18;
	[sflag:s12] =	ssyncadd.s32 $0xFFFF8000  }
0x19: {  	[hbm4b:s13+s2] =	stream.linear.scatter [tilespmem:s9], [sflag:$0x2], $0x8000, $0x38;
	[tilespmem:$0x10400] =	vst v63  }
0x1a: {  	_ =	swait.ge [sflag:s3], $0x8000  }
0x1b: {  	s19 =	sadd.s32 $0xC4D800, s14;
	[sflag:s3] =	ssyncset.done $0x0  }
0x1c: {  	s14 =	sadd.s32 s19, s18;
	[sflag:s3] =	ssyncadd.s32 $0xFFFF8000  }
0x1d: {  	[hbm4b:s14+s2] =	stream.linear.scatter [tilespmem:s11], [sflag:$0x2], $0x8000, $0x38;
	[tilespmem:$0x10400] =	vst v63  }
0x1e: {  	_ =	swait.ge [sflag:s3], $0x8000  }
0x1f: {  	[sflag:s3] =	ssyncset.done $0x0  }
0x20: {  	[sflag:s3] =	ssyncadd.s32 $0xFFFF8000  }
0x21: {  	[tilespmem:s9], [sflag:$0x1] =	stream.indirect.gather [hbm4b:s7+s8], $0x80, s8, s8, $0xb8;
	[tilespmem:$0x10400] =	vst v63  }
0x22: {  	s15 =	simm.s32 $0x300  }
0x23: {  	[tilespmem:s11], [sflag:$0x1] =	stream.indirect.gather [hbm4b:s10+s8], $0x80, s15, s8, $0xb8;
	[tilespmem:$0x10400] =	vst v63  }
0x24: {  	_ =	swait.ge [sflag:s12], $0x8000  }
0x25: {  	[sflag:s12] =	ssyncset.done $0x0  }
0x26: {  	s20 =	ssub.s32 $0x2, s16;
	[sflag:s12] =	ssyncadd.s32 $0xFFFF8000  }
0x27: {  	s30 =	sshrl.u32 s20, $0x1;
	_ =	swait.ge [sflag:s12], $0x8000  }
0x28: {  	s20 =	ssub.s32 s20, s30;
	s18 =	sor.u32 $0x1000, s18;
	[sflag:s12] =	ssyncset.done $0x0  }
0x29: {  	s31 =	smax.u32 s20, $0x1;
	s16 =	sadd.s32 s17, s18;
	[sflag:s12] =	ssyncadd.s32 $0xFFFF8000  }
0x2a: {  	[hbm4b:s16+s2] =	stream.linear.scatter [tilespmem:s9], [sflag:$0x2], $0x8000, $0x38;
	[tilespmem:$0x10400] =	vst v63  }
0x2b: {  	p0 =	sne.s32 s31, $0x1;
	_ =	swait.ge [sflag:s3], $0x8000  }
.Ltmp0:
0x2c: {  	[sflag:s3] =	ssyncset.done $0x0;
	(pc) =	sbr.rel @!p0 .LBB2_2-.Ltmp0, $4  }
0x2d: {  	s17 =	sadd.s32 s19, s18;
	[sflag:s3] =	ssyncadd.s32 $0xFFFF8000  }
0x2e: {  	[hbm4b:s17+s2] =	stream.linear.scatter [tilespmem:s11], [sflag:$0x2], $0x8000, $0x38;
	[tilespmem:$0x10400] =	vst v63  }
0x2f: {  	_ =	swait.ge [sflag:s3], $0x8000  }
0x30: {  	s18 =	sadd.s32 $0xFFFFFFFF, s31;
	[sflag:s3] =	ssyncset.done $0x0  }
.LBB2_1:
0x31: {  	p0 =	sne.s32 s18, $0x1;
	s18 =	sadd.s32 $0xFFFFFFFF, s18;
	[sflag:s3] =	ssyncadd.s32 $0xFFFF8000  }
0x32: {  	[tilespmem:s2], [sflag:$0x2] =	stream.linear.gather [hbm4b:s4+s2], $0x200, $0x38;
	[tilespmem:$0x10400] =	vst v63  }
0x33: {  	_ =	swait.ge [sflag:s3], $0x200  }
0x34: {  	[sflag:s3] =	ssyncset.done $0x0  }
0x35: {  	[sflag:s3] =	ssyncadd.s32 $0xFFFFFE00  }
0x36: {  	[tilespmem:s6], [sflag:$0x2] =	stream.linear.gather [hbm4b:s5+s2], $0x200, $0x38;
	[tilespmem:$0x10400] =	vst v63  }
0x37: {  	_ =	swait.ge [sflag:s3], $0x200  }
0x38: {  	[sflag:s3] =	ssyncset.done $0x0  }
0x39: {  	[sflag:s3] =	ssyncadd.s32 $0xFFFFFE00  }
0x3a: {  	[tilespmem:s9], [sflag:$0x1] =	stream.indirect.gather [hbm4b:s7+s8], $0x80, s2, s8, $0xb8;
	[tilespmem:$0x10400] =	vst v63  }
0x3b: {  	_ = 	snop  }
0x3c: {  	[tilespmem:s11], [sflag:$0x1] =	stream.indirect.gather [hbm4b:s10+s8], $0x80, s6, s8, $0xb8;
	[tilespmem:$0x10400] =	vst v63  }
0x3d: {  	_ =	swait.ge [sflag:s12], $0x8000  }
0x3e: {  	[sflag:s12] =	ssyncset.done $0x0  }
0x3f: {  	[sflag:s12] =	ssyncadd.s32 $0xFFFF8000  }
0x40: {  	_ =	swait.ge [sflag:s12], $0x8000  }
0x41: {  	[sflag:s12] =	ssyncset.done $0x0  }
0x42: {  	[sflag:s12] =	ssyncadd.s32 $0xFFFF8000  }
0x43: {  	[hbm4b:s13+s2] =	stream.linear.scatter [tilespmem:s9], [sflag:$0x2], $0x8000, $0x38;
	[tilespmem:$0x10400] =	vst v63  }
0x44: {  	_ =	swait.ge [sflag:s3], $0x8000  }
0x45: {  	[sflag:s3] =	ssyncset.done $0x0  }
0x46: {  	[sflag:s3] =	ssyncadd.s32 $0xFFFF8000  }
0x47: {  	[hbm4b:s14+s2] =	stream.linear.scatter [tilespmem:s11], [sflag:$0x2], $0x8000, $0x38;
	[tilespmem:$0x10400] =	vst v63  }
0x48: {  	_ =	swait.ge [sflag:s3], $0x8000  }
0x49: {  	[sflag:s3] =	ssyncset.done $0x0  }
0x4a: {  	[sflag:s3] =	ssyncadd.s32 $0xFFFF8000  }
0x4b: {  	[tilespmem:s9], [sflag:$0x1] =	stream.indirect.gather [hbm4b:s7+s8], $0x80, s8, s8, $0xb8;
	[tilespmem:$0x10400] =	vst v63  }
0x4c: {  	_ = 	snop  }
0x4d: {  	[tilespmem:s11], [sflag:$0x1] =	stream.indirect.gather [hbm4b:s10+s8], $0x80, s15, s8, $0xb8;
	[tilespmem:$0x10400] =	vst v63  }
0x4e: {  	_ =	swait.ge [sflag:s12], $0x8000  }
0x4f: {  	[sflag:s12] =	ssyncset.done $0x0  }
0x50: {  	[sflag:s12] =	ssyncadd.s32 $0xFFFF8000  }
0x51: {  	_ =	swait.ge [sflag:s12], $0x8000  }
0x52: {  	[sflag:s12] =	ssyncset.done $0x0  }
0x53: {  	[sflag:s12] =	ssyncadd.s32 $0xFFFF8000  }
0x54: {  	[hbm4b:s16+s2] =	stream.linear.scatter [tilespmem:s9], [sflag:$0x2], $0x8000, $0x38;
	[tilespmem:$0x10400] =	vst v63  }
0x55: {  	_ =	swait.ge [sflag:s3], $0x8000  }
.Ltmp1:
0x56: {  	[sflag:s3] =	ssyncset.done $0x0;
	(pc) =	sbr.rel @p0 .LBB2_1-.Ltmp1, $4  }
0x57: {  	[sflag:s3] =	ssyncadd.s32 $0xFFFF8000  }
0x58: {  	[hbm4b:s17+s2] =	stream.linear.scatter [tilespmem:s11], [sflag:$0x2], $0x8000, $0x38;
	[tilespmem:$0x10400] =	vst v63  }
0x59: {  	_ =	swait.ge [sflag:s3], $0x8000  }
0x5a: {  	[sflag:s3] =	ssyncset.done $0x0  }
.LBB2_2:
0x5b: {  	[sflag:s3] =	ssyncadd.s32 $0xFFFF8000  }
0x5c: {  	_ =	sfence.sel $0x180000  }
0x5d: {  	[bflag:$0x0] =	sbarrier.arrive $0xFFFF  }
0x5e: {  	p0 =	sne.s32 s0, $0x0;
	_ =	strace $0x9000004A  }
0x5f: {  	s0 =	sadd.s32 @!p0 $0x100000, s1;
	[bflag:$0x2] =	sbarrier.arrive $0xFFFF  }
0x60: {  	[sflag:s0] =	ssyncadd.tile.s32 @!p0 $0x1;
	_ =	shalt  }
.Lfunc_end2:
_tile_overlayer_lowered:
.L_overlay_start_2:
0x61: {  	(tag) =	ssettag $0x2  }
0x62: {  	s0 =	rddreg [dreg:$0x0];
	s2 =	stileid.u32  }
0x63: {  	s1 =	rddreg [dreg:$0x1];
	p0 =	sne.s32 s2, $0x0  }
0x64: {  	s3 =	rddreg [dreg:$0x2];
	[bflag:$0x3] =	sbarrier.arrive $0xFFFF;
	s2 =	simm.s32 @!p0 $0x1C02  }
0x65: {  	[timem:s3], [sflag:s2] =	dma.local @!p0 [hbm:s0], s1  }
0x66: {  	s0 =	simm.s32 @!p0 $0x2  }
0x67: {  	_ =	swait.ge @!p0 [sflag:s0], s1  }
0x68: {  	s1 =	ssub.s32 @!p0 $0x0, s1;
	[sflag:s0] =	ssyncset.done @!p0 $0x0  }
0x69: {  	[sflag:s0] =	ssyncadd.s32 @!p0 s1  }
0x6a: {  	[bflag:$0x3] =	sbarrier.arrive $0xFFFF  }
0x6b: {  	_ =	shalt  }

</sc_bundles>
